<compile_context>
chip_gen: v7x
topology: tpu7x:2x2x1
jax: 0.10.2.dev20260603
libtpu: 0.0.44.dev20260713+nightly
codegen_flags: <defaults>
</compile_context>

<pallas_src>
import functools

import jax
import jax.numpy as jnp
from jax import lax
from jax.experimental import pallas as pl
from jax.experimental.pallas import tpu as pltpu
from jax.experimental.pallas import tpu_sc as plsc

N = 10000
E = 320000
F = 128
EMB = 256
VOCAB = 10000

NP = 10240
CH = 128
NCH = 79
EP = 32 * NCH * CH
NTILE = 16
RT = NP // NTILE
TE = EP // 32


def _sc_mesh():
    return plsc.VectorSubcoreMesh(core_axis_name="c", subcore_axis_name="s")


def _deg_partials(dstp, zinit, ones):

    @functools.partial(
        pl.kernel,
        out_type=jax.ShapeDtypeStruct((2, NP, F), jnp.float32),
        mesh=_sc_mesh(),
        scratch_types=[
            pltpu.VMEM((NCH, CH), jnp.int32),
            pltpu.VMEM((CH, F), jnp.float32),
            pltpu.VMEM_SHARED((NP, F), jnp.float32),
        ],
    )
    def k(dst_hbm, z_hbm, ones_hbm, out_hbm, dall, ones_v, acc_sh):
        cid = lax.axis_index("c")
        sid = lax.axis_index("s")
        wid = cid * 16 + sid
        r0 = sid * RT
        pltpu.sync_copy(z_hbm.at[pl.ds(r0, RT)], acc_sh.at[pl.ds(r0, RT)])
        pltpu.sync_copy(ones_hbm, ones_v)
        pltpu.sync_copy(dst_hbm.at[wid], dall)
        plsc.subcore_barrier()

        def body(i, carry):
            pltpu.sync_copy(ones_v, acc_sh.at[dall.at[i]], add=True)
            return carry

        lax.fori_loop(0, NCH, body, 0)
        plsc.subcore_barrier()
        pltpu.sync_copy(acc_sh.at[pl.ds(r0, RT)], out_hbm.at[cid, pl.ds(r0, RT)])

    return k(dstp, zinit, ones)


def _aggregate(y, srcp, dstp, init):

    @functools.partial(
        pl.kernel,
        out_type=jax.ShapeDtypeStruct((2, NP, F), jnp.float32),
        mesh=_sc_mesh(),
        scratch_types=[
            pltpu.VMEM((CH,), jnp.int32),
            pltpu.VMEM((CH,), jnp.int32),
            pltpu.VMEM((CH,), jnp.int32),
            pltpu.VMEM((CH,), jnp.int32),
            pltpu.VMEM((CH, F), jnp.float32),
            pltpu.VMEM((CH, F), jnp.float32),
            pltpu.VMEM_SHARED((NP, F), jnp.float32),
            pltpu.SemaphoreType.DMA,
            pltpu.SemaphoreType.DMA,
        ],
    )
    def k(y_hbm, src_hbm, dst_hbm, init_hbm, out_hbm,
          sidx0, sidx1, didx0, didx1, rows0, rows1, acc_sh, sem0, sem1):
        sidx = (sidx0, sidx1)
        didx = (didx0, didx1)
        rows = (rows0, rows1)
        sems = (sem0, sem1)
        cid = lax.axis_index("c")
        sid = lax.axis_index("s")
        r0 = sid * RT
        pltpu.sync_copy(init_hbm.at[cid, pl.ds(r0, RT)], acc_sh.at[pl.ds(r0, RT)])
        plsc.subcore_barrier()
        base = (cid * 16 + sid) * TE

        for b in range(2):
            off = base + b * CH
            pltpu.sync_copy(src_hbm.at[pl.ds(off, CH)], sidx[b])
            pltpu.sync_copy(dst_hbm.at[pl.ds(off, CH)], didx[b])
            pltpu.async_copy(y_hbm.at[sidx[b]], rows[b], sems[b])

        def body(g, carry):
            for b in range(2):
                i = 2 * g + b
                pltpu.make_async_copy(y_hbm.at[sidx[b]], rows[b],
                                      sems[b]).wait()
                pltpu.sync_copy(rows[b], acc_sh.at[didx[b]], add=True)

                @pl.when(i + 2 < NCH)
                def _():
                    off = base + (i + 2) * CH
                    pltpu.sync_copy(src_hbm.at[pl.ds(off, CH)], sidx[b])
                    pltpu.sync_copy(dst_hbm.at[pl.ds(off, CH)], didx[b])
                    pltpu.async_copy(y_hbm.at[sidx[b]], rows[b], sems[b])

            return carry

        lax.fori_loop(0, NCH // 2, body, 0)
        b_last = (NCH - 1) % 2
        pltpu.make_async_copy(y_hbm.at[sidx[b_last]], rows[b_last],
                              sems[b_last]).wait()
        pltpu.sync_copy(rows[b_last], acc_sh.at[didx[b_last]], add=True)
        plsc.subcore_barrier()
        pltpu.sync_copy(acc_sh.at[pl.ds(r0, RT)], out_hbm.at[cid, pl.ds(r0, RT)])

    return k(y, srcp, dstp, init)


def _cdiv(a, b):
    return (a + b - 1) // b


def _mm_scale(x, W1, deg_p):
    bm = 512
    grid = (_cdiv(NP, bm),)

    def body(x_ref, w_ref, d_ref, y_ref):
        dinv = lax.rsqrt(d_ref[0, :, 0:1] + d_ref[1, :, 0:1] + 1.0)
        xw = jnp.dot(x_ref[...], w_ref[...], preferred_element_type=jnp.float32)
        y_ref[...] = xw * dinv

    return pl.pallas_call(
        body,
        grid=grid,
        in_specs=[
            pl.BlockSpec((bm, F), lambda i: (i, 0)),
            pl.BlockSpec((F, F), lambda i: (0, 0)),
            pl.BlockSpec((2, bm, F), lambda i: (0, i, 0)),
        ],
        out_specs=pl.BlockSpec((bm, F), lambda i: (i, 0)),
        out_shape=jax.ShapeDtypeStruct((NP, F), jnp.float32),
    )(x, W1, deg_p)


def _post_mm(acc1, deg_p, b1r, W2):
    bm = 512
    grid = (_cdiv(NP, bm),)

    def body(a_ref, d_ref, b_ref, w_ref, y_ref):
        dinv = lax.rsqrt(d_ref[0, :, 0:1] + d_ref[1, :, 0:1] + 1.0)
        accf = a_ref[0] + a_ref[1]
        h = jnp.maximum(accf * dinv + b_ref[...], 0.0)
        y_ref[...] = jnp.dot(h, w_ref[...], preferred_element_type=jnp.float32) * dinv

    return pl.pallas_call(
        body,
        grid=grid,
        in_specs=[
            pl.BlockSpec((2, bm, F), lambda i: (0, i, 0)),
            pl.BlockSpec((2, bm, F), lambda i: (0, i, 0)),
            pl.BlockSpec((1, F), lambda i: (0, 0)),
            pl.BlockSpec((F, F), lambda i: (0, 0)),
        ],
        out_specs=pl.BlockSpec((bm, F), lambda i: (i, 0)),
        out_shape=jax.ShapeDtypeStruct((NP, F), jnp.float32),
    )(acc1, deg_p, b1r, W2)


def _lstm(acc2, deg_p, b2r, W_ih, bgr):
    bm = 512
    grid = (_cdiv(NP, bm),)

    def body(a_ref, d_ref, b2_ref, wih_ref, bg_ref, out_ref):
        dinv = lax.rsqrt(d_ref[0, :, 0:1] + d_ref[1, :, 0:1] + 1.0)
        h2 = (a_ref[0] + a_ref[1]) * dinv + b2_ref[...]
        gates = lax.dot_general(
            h2, wih_ref[...], (((1,), (1,)), ((), ())),
            preferred_element_type=jnp.float32) + bg_ref[...]
        ii = jax.nn.sigmoid(gates[:, 0:EMB])
        gg = jnp.tanh(gates[:, 2 * EMB:3 * EMB])
        oo = jax.nn.sigmoid(gates[:, 3 * EMB:4 * EMB])
        out_ref[...] = (oo * jnp.tanh(ii * gg)).astype(jnp.bfloat16)

    return pl.pallas_call(
        body,
        grid=grid,
        in_specs=[
            pl.BlockSpec((2, bm, F), lambda i: (0, i, 0)),
            pl.BlockSpec((2, bm, F), lambda i: (0, i, 0)),
            pl.BlockSpec((1, F), lambda i: (0, 0)),
            pl.BlockSpec((4 * EMB, F), lambda i: (0, 0)),
            pl.BlockSpec((1, 4 * EMB), lambda i: (0, 0)),
        ],
        out_specs=pl.BlockSpec((bm, EMB), lambda i: (i, 0)),
        out_shape=jax.ShapeDtypeStruct((NP, EMB), jnp.bfloat16),
    )(acc2, deg_p, b2r, W_ih, bgr)


def _vocab(hh, W_fc_bf, bfcr):
    bm = 512
    bn = 1024
    grid = (_cdiv(VOCAB, bn), _cdiv(N, bm))

    def body(h_ref, w_ref, b_ref, out_ref):
        out_ref[...] = lax.dot_general(
            h_ref[...], w_ref[...], (((1,), (1,)), ((), ())),
            preferred_element_type=jnp.float32) + b_ref[...]

    return pl.pallas_call(
        body,
        grid=grid,
        in_specs=[
            pl.BlockSpec((bm, EMB), lambda j, i: (i, 0)),
            pl.BlockSpec((bn, EMB), lambda j, i: (j, 0)),
            pl.BlockSpec((1, bn), lambda j, i: (0, j)),
        ],
        out_specs=pl.BlockSpec((bm, bn), lambda j, i: (i, j)),
        out_shape=jax.ShapeDtypeStruct((N, VOCAB), jnp.float32),
    )(hh, W_fc_bf, bfcr)


def kernel(x, edge_index, W1, b1, W2, b2, W_ih, W_hh, b_ih, b_hh, W_fc, b_fc):
    src = edge_index[0].astype(jnp.int32)
    dst = edge_index[1].astype(jnp.int32)
    pad = EP - E
    srcp = jnp.concatenate([src, jnp.full((pad,), N, jnp.int32)])
    dstp = jnp.concatenate(
        [dst, N + (jnp.arange(pad, dtype=jnp.int32) % 16)])

    zinit = jnp.zeros((NP, F), jnp.float32)
    ones = jnp.ones((CH, F), jnp.float32)
    deg_p = _deg_partials(dstp.reshape(32, NCH, CH), zinit, ones)

    zacc = jnp.zeros((1, NP, F), jnp.float32)
    y1 = _mm_scale(x, W1, deg_p)
    acc1 = _aggregate(y1, srcp, dstp,
                      jnp.concatenate([y1[None], zacc], axis=0))

    y2 = _post_mm(acc1, deg_p, b1.reshape(1, F), W2)
    acc2 = _aggregate(y2, srcp, dstp,
                      jnp.concatenate([y2[None], zacc], axis=0))

    hh = _lstm(acc2, deg_p, b2.reshape(1, F), W_ih,
               (b_ih + b_hh).reshape(1, 4 * EMB))
    logits = _vocab(hh, W_fc.astype(jnp.bfloat16), b_fc.reshape(1, VOCAB))
    return logits

# --- scband reference (transcript-rebuilt; emitter-appended) ---
"""Pipeline reference for scband-code-summarizer-28338194219388 (READ-ONLY COPY).

The authoritative reference and input builder live on the scoring server;
editing this copy changes nothing except your own understanding.
"""

import jax, jax.numpy as jnp
import numpy as np

N = 10000
E = 320000
IN_C = 128
HID_C = 128
OUT_C = 128
EMB = 256
VOCAB = 10000


def gcn_conv(x, edge_index, W, b):
    # PyG GCNConv: x' = D^{-1/2} (A + I) D^{-1/2} X W + b
    src = edge_index[0]
    dst = edge_index[1]
    sl = jnp.arange(N, dtype=edge_index.dtype)
    src2 = jnp.concatenate([src, sl])
    dst2 = jnp.concatenate([dst, sl])
    deg = jnp.zeros((N,), jnp.float32).at[dst2].add(1.0)
    dinv = jnp.where(deg > 0, jax.lax.rsqrt(deg), 0.0)
    norm = dinv[src2] * dinv[dst2]
    xw = x @ W
    msg = xw[src2] * norm[:, None]
    out = jnp.zeros((N, W.shape[1]), jnp.float32).at[dst2].add(msg)
    return out + b


def setup_inputs(seed: int = 0):
    key = jax.random.key(seed)
    ks = jax.random.split(key, 12)
    x = jax.random.normal(ks[0], (N, IN_C), dtype=jnp.float32)
    edge_index = jax.random.randint(ks[1], (2, E), 0, N, dtype=jnp.int32)
    W1 = jax.random.normal(ks[2], (IN_C, HID_C), dtype=jnp.float32) * (1.0 / np.sqrt(IN_C))
    b1 = jnp.zeros((HID_C,), jnp.float32)
    W2 = jax.random.normal(ks[3], (HID_C, OUT_C), dtype=jnp.float32) * (1.0 / np.sqrt(HID_C))
    b2 = jnp.zeros((OUT_C,), jnp.float32)
    # PyTorch LSTM params (single layer, single step, h0=c0=0), gate order i,f,g,o
    k = 1.0 / np.sqrt(EMB)
    W_ih = jax.random.uniform(ks[4], (4 * EMB, OUT_C), minval=-k, maxval=k, dtype=jnp.float32)
    W_hh = jax.random.uniform(ks[5], (4 * EMB, EMB), minval=-k, maxval=k, dtype=jnp.float32)
    b_ih = jax.random.uniform(ks[6], (4 * EMB,), minval=-k, maxval=k, dtype=jnp.float32)
    b_hh = jax.random.uniform(ks[7], (4 * EMB,), minval=-k, maxval=k, dtype=jnp.float32)
    kf = 1.0 / np.sqrt(EMB)
    W_fc = jax.random.uniform(ks[8], (VOCAB, EMB), minval=-kf, maxval=kf, dtype=jnp.float32)
    b_fc = jax.random.uniform(ks[9], (VOCAB,), minval=-kf, maxval=kf, dtype=jnp.float32)
    return {"x": x, "edge_index": edge_index, "W1": W1, "b1": b1, "W2": W2, "b2": b2,
            "W_ih": W_ih, "W_hh": W_hh, "b_ih": b_ih, "b_hh": b_hh, "W_fc": W_fc, "b_fc": b_fc}


def reference(x, edge_index, W1, b1, W2, b2, W_ih, W_hh, b_ih, b_hh, W_fc, b_fc):
    h = jax.nn.relu(gcn_conv(x, edge_index, W1, b1))
    h = gcn_conv(h, edge_index, W2, b2)
    # LSTM, seq_len=1, batch_first, h0=c0=0 (W_hh contributes h0 @ W_hh.T = 0)
    h0 = jnp.zeros((h.shape[0], EMB), jnp.float32)
    gates = h @ W_ih.T + b_ih + h0 @ W_hh.T + b_hh
    i, f, g, o = jnp.split(gates, 4, axis=-1)
    i = jax.nn.sigmoid(i)
    f = jax.nn.sigmoid(f)
    g = jnp.tanh(g)
    o = jax.nn.sigmoid(o)
    c = i * g  # f * c0 = 0
    hh = o * jnp.tanh(c)
    logits = hh @ W_fc.T + b_fc
    return logits

if __name__ == "__main__":
    import jax
    _d = setup_inputs()
    print(jax.jit(kernel)(*tuple(_d.values())))

</pallas_src>

<mosaic_0001>
#map = affine_map<(d0, d1) -> (0, 0, 0)>
#map1 = affine_map<(d0, d1) -> (0, 0)>
module attributes {stable_mosaic.version = 14 : i64} {
  func.func @k(%arg0: i32, %arg1: i32, %arg2: memref<32x79x128xi32, #tpu.memory_space<hbm>>, %arg3: memref<10240x128xf32, #tpu.memory_space<hbm>>, %arg4: memref<128x128xf32, #tpu.memory_space<hbm>>, %arg5: memref<2x10240x128xf32, #tpu.memory_space<hbm>>, %arg6: memref<79x128xi32, #tpu.memory_space<vmem>>, %arg7: memref<128x128xf32, #tpu.memory_space<vmem>>, %arg8: memref<10240x128xf32, #tpu.memory_space<vmem_shared>>) attributes {dimension_semantics = [#tpu.dimension_semantics<core_parallel>, #tpu.dimension_semantics<subcore_parallel>], iteration_bounds = array<i64: 2, 16>, scalar_prefetch = 0 : i64, scratch_operands = 3 : i64, tpu.core_type = #tpu.core_type<sc_vector_subcore>, window_params = [{transform_indices = #map}, {transform_indices = #map1}, {transform_indices = #map1}, {transform_indices = #map}]} {
    %mul3A = arith.constant 16 : i32
    %mul3A_0 = arith.muli %arg0, %mul3A : i32
    %add3A = arith.addi %mul3A_0, %arg1 : i32
    %mul3A_1 = arith.constant 640 : i32
    %mul3A_2 = arith.muli %arg1, %mul3A_1 : i32
    "tpu.region"() ({
      %run_scoped3A = tpu.sem_alloc : memref<!tpu.dma_semaphore, #tpu.memory_space<semaphore_mem>>
      %dma_start3A = arith.constant 0 : i32
      %dma_start3A_9 = tpu.memref_slice %arg8[%mul3A_2, %dma_start3A] : memref<10240x128xf32, #tpu.memory_space<vmem_shared>> -> memref<640x128xf32, #tpu.memory_space<vmem_shared>>
      %dma_start3A_10 = arith.constant 0 : i32
      %dma_start3A_11 = tpu.memref_slice %arg3[%mul3A_2, %dma_start3A_10] : memref<10240x128xf32, #tpu.memory_space<hbm>> -> memref<640x128xf32, #tpu.memory_space<hbm>>
      tpu.enqueue_dma source(%dma_start3A_11 : memref<640x128xf32, #tpu.memory_space<hbm>>) target(%dma_start3A_9 : memref<640x128xf32, #tpu.memory_space<vmem_shared>>) target_semaphore(%run_scoped3A : memref<!tpu.dma_semaphore, #tpu.memory_space<semaphore_mem>>)
      %dma_wait3A = arith.constant 0 : i32
      %dma_wait3A_12 = tpu.memref_slice %arg8[%mul3A_2, %dma_wait3A] : memref<10240x128xf32, #tpu.memory_space<vmem_shared>> -> memref<640x128xf32, #tpu.memory_space<vmem_shared>>
      %dma_wait3A_13 = arith.constant 0 : i32
      %dma_wait3A_14 = tpu.memref_slice %arg3[%mul3A_2, %dma_wait3A_13] : memref<10240x128xf32, #tpu.memory_space<hbm>> -> memref<640x128xf32, #tpu.memory_space<hbm>>
      tpu.wait_dma2 semaphore(%run_scoped3A : memref<!tpu.dma_semaphore, #tpu.memory_space<semaphore_mem>>) src(%dma_wait3A_14 : memref<640x128xf32, #tpu.memory_space<hbm>>) dst(%dma_wait3A_12 : memref<640x128xf32, #tpu.memory_space<vmem_shared>>)
      tpu.yield
    }) : () -> ()
    "tpu.region"() ({
      %run_scoped3A = tpu.sem_alloc : memref<!tpu.dma_semaphore, #tpu.memory_space<semaphore_mem>>
      tpu.enqueue_dma source(%arg4 : memref<128x128xf32, #tpu.memory_space<hbm>>) target(%arg7 : memref<128x128xf32, #tpu.memory_space<vmem>>) target_semaphore(%run_scoped3A : memref<!tpu.dma_semaphore, #tpu.memory_space<semaphore_mem>>)
      tpu.wait_dma2 semaphore(%run_scoped3A : memref<!tpu.dma_semaphore, #tpu.memory_space<semaphore_mem>>) src(%arg4 : memref<128x128xf32, #tpu.memory_space<hbm>>) dst(%arg7 : memref<128x128xf32, #tpu.memory_space<vmem>>)
      tpu.yield
    }) : () -> ()
    "tpu.region"() ({
      %run_scoped3A = tpu.sem_alloc : memref<!tpu.dma_semaphore, #tpu.memory_space<semaphore_mem>>
      %dma_start3A = arith.constant 0 : i32
      %dma_start3A_9 = arith.constant 0 : i32
      %dma_start3A_10 = tpu.memref_slice %arg2[%add3A, %dma_start3A, %dma_start3A_9] : memref<32x79x128xi32, #tpu.memory_space<hbm>> -> memref<1x79x128xi32, #tpu.memory_space<hbm>>
      %dma_start3A_11 = tpu.memref_squeeze %dma_start3A_10 : memref<1x79x128xi32, #tpu.memory_space<hbm>> -> memref<79x128xi32, #tpu.memory_space<hbm>>
      %dma_start3A_12 = arith.constant 0 : i32
      %dma_start3A_13 = arith.constant 0 : i32
      %dma_start3A_14 = tpu.memref_slice %arg2[%add3A, %dma_start3A_12, %dma_start3A_13] : memref<32x79x128xi32, #tpu.memory_space<hbm>> -> memref<1x79x128xi32, #tpu.memory_space<hbm>>
      %dma_start3A_15 = tpu.memref_squeeze %dma_start3A_14 : memref<1x79x128xi32, #tpu.memory_space<hbm>> -> memref<79x128xi32, #tpu.memory_space<hbm>>
      tpu.enqueue_dma source(%dma_start3A_15 : memref<79x128xi32, #tpu.memory_space<hbm>>) target(%arg6 : memref<79x128xi32, #tpu.memory_space<vmem>>) target_semaphore(%run_scoped3A : memref<!tpu.dma_semaphore, #tpu.memory_space<semaphore_mem>>)
      %dma_wait3A = arith.constant 0 : i32
      %dma_wait3A_16 = arith.constant 0 : i32
      %dma_wait3A_17 = tpu.memref_slice %arg2[%add3A, %dma_wait3A, %dma_wait3A_16] : memref<32x79x128xi32, #tpu.memory_space<hbm>> -> memref<1x79x128xi32, #tpu.memory_space<hbm>>
      %dma_wait3A_18 = tpu.memref_squeeze %dma_wait3A_17 : memref<1x79x128xi32, #tpu.memory_space<hbm>> -> memref<79x128xi32, #tpu.memory_space<hbm>>
      %dma_wait3A_19 = arith.constant 0 : i32
      %dma_wait3A_20 = arith.constant 0 : i32
      %dma_wait3A_21 = tpu.memref_slice %arg2[%add3A, %dma_wait3A_19, %dma_wait3A_20] : memref<32x79x128xi32, #tpu.memory_space<hbm>> -> memref<1x79x128xi32, #tpu.memory_space<hbm>>
      %dma_wait3A_22 = tpu.memref_squeeze %dma_wait3A_21 : memref<1x79x128xi32, #tpu.memory_space<hbm>> -> memref<79x128xi32, #tpu.memory_space<hbm>>
      tpu.wait_dma2 semaphore(%run_scoped3A : memref<!tpu.dma_semaphore, #tpu.memory_space<semaphore_mem>>) src(%dma_wait3A_22 : memref<79x128xi32, #tpu.memory_space<hbm>>) dst(%arg6 : memref<79x128xi32, #tpu.memory_space<vmem>>)
      tpu.yield
    }) : () -> ()
    %barrier3A = arith.constant 0 : index
    tpu.barrier barrier_id(%barrier3A)
    %scan3A = arith.constant 0 : i32
    %scan3A_3 = arith.constant 0 : i32
    %scan3A_4 = arith.constant 79 : i32
    %scan3A_5 = arith.addi %scan3A_3, %scan3A_4 : i32
    %scan3A_6 = arith.constant 1 : i32
    scf.for %scan3A_9 = %scan3A_3 to %scan3A_5 step %scan3A_6  : i32 {
      "tpu.region"() ({
        %run_scoped3A = tpu.sem_alloc : memref<!tpu.dma_semaphore, #tpu.memory_space<semaphore_mem>>
        %dma_start3A = arith.constant 0 : i32
        %dma_start3A_10 = tpu.memref_slice %arg6[%scan3A_9, %dma_start3A] : memref<79x128xi32, #tpu.memory_space<vmem>> -> memref<1x128xi32, #tpu.memory_space<vmem>>
        %dma_start3A_11 = tpu.memref_squeeze %dma_start3A_10 : memref<1x128xi32, #tpu.memory_space<vmem>> -> memref<128xi32, #tpu.memory_space<vmem>>
        %dma_start3A_12 = arith.constant 0 : i32
        %dma_start3A_13 = arith.constant 0 : i32
        %dma_start3A_14 = tpu.memref_slice %arg8[%dma_start3A_12, %dma_start3A_13] : memref<10240x128xf32, #tpu.memory_space<vmem_shared>> -> memref<10240x128xf32, #tpu.memory_space<vmem_shared>>
        tpu.enqueue_indirect_dma source(%arg7 : memref<128x128xf32, #tpu.memory_space<vmem>>) target(%dma_start3A_14 : memref<10240x128xf32, #tpu.memory_space<vmem_shared>>) offsets(%dma_start3A_11 : memref<128xi32, #tpu.memory_space<vmem>>) semaphore(%run_scoped3A : memref<!tpu.dma_semaphore, #tpu.memory_space<semaphore_mem>>) {add = true}
        %dma_wait3A = arith.constant 0 : i32
        %dma_wait3A_15 = tpu.memref_slice %arg6[%scan3A_9, %dma_wait3A] : memref<79x128xi32, #tpu.memory_space<vmem>> -> memref<1x128xi32, #tpu.memory_space<vmem>>
        %dma_wait3A_16 = tpu.memref_squeeze %dma_wait3A_15 : memref<1x128xi32, #tpu.memory_space<vmem>> -> memref<128xi32, #tpu.memory_space<vmem>>
        %dma_wait3A_17 = arith.constant 0 : i32
        %dma_wait3A_18 = arith.constant 0 : i32
        %dma_wait3A_19 = tpu.memref_slice %arg8[%dma_wait3A_17, %dma_wait3A_18] : memref<10240x128xf32, #tpu.memory_space<vmem_shared>> -> memref<10240x128xf32, #tpu.memory_space<vmem_shared>>
        tpu.wait_indirect_dma semaphore(%run_scoped3A : memref<!tpu.dma_semaphore, #tpu.memory_space<semaphore_mem>>) src(%arg7 : memref<128x128xf32, #tpu.memory_space<vmem>>) dst(%dma_wait3A_19 : memref<10240x128xf32, #tpu.memory_space<vmem_shared>>)
        tpu.yield
      }) : () -> ()
    }
    %scan3A_7 = arith.constant 79 : i32
    %barrier3A_8 = arith.constant 0 : index
    tpu.barrier barrier_id(%barrier3A_8)
    "tpu.region"() ({
      %run_scoped3A = tpu.sem_alloc : memref<!tpu.dma_semaphore, #tpu.memory_space<semaphore_mem>>
      %dma_start3A = arith.constant 0 : i32
      %dma_start3A_9 = tpu.memref_slice %arg5[%arg0, %mul3A_2, %dma_start3A] : memref<2x10240x128xf32, #tpu.memory_space<hbm>> -> memref<1x640x128xf32, #tpu.memory_space<hbm>>
      %dma_start3A_10 = tpu.memref_squeeze %dma_start3A_9 : memref<1x640x128xf32, #tpu.memory_space<hbm>> -> memref<640x128xf32, #tpu.memory_space<hbm>>
      %dma_start3A_11 = arith.constant 0 : i32
      %dma_start3A_12 = tpu.memref_slice %arg8[%mul3A_2, %dma_start3A_11] : memref<10240x128xf32, #tpu.memory_space<vmem_shared>> -> memref<640x128xf32, #tpu.memory_space<vmem_shared>>
      tpu.enqueue_dma source(%dma_start3A_12 : memref<640x128xf32, #tpu.memory_space<vmem_shared>>) target(%dma_start3A_10 : memref<640x128xf32, #tpu.memory_space<hbm>>) target_semaphore(%run_scoped3A : memref<!tpu.dma_semaphore, #tpu.memory_space<semaphore_mem>>)
      %dma_wait3A = arith.constant 0 : i32
      %dma_wait3A_13 = tpu.memref_slice %arg5[%arg0, %mul3A_2, %dma_wait3A] : memref<2x10240x128xf32, #tpu.memory_space<hbm>> -> memref<1x640x128xf32, #tpu.memory_space<hbm>>
      %dma_wait3A_14 = tpu.memref_squeeze %dma_wait3A_13 : memref<1x640x128xf32, #tpu.memory_space<hbm>> -> memref<640x128xf32, #tpu.memory_space<hbm>>
      %dma_wait3A_15 = arith.constant 0 : i32
      %dma_wait3A_16 = tpu.memref_slice %arg8[%mul3A_2, %dma_wait3A_15] : memref<10240x128xf32, #tpu.memory_space<vmem_shared>> -> memref<640x128xf32, #tpu.memory_space<vmem_shared>>
      tpu.wait_dma2 semaphore(%run_scoped3A : memref<!tpu.dma_semaphore, #tpu.memory_space<semaphore_mem>>) src(%dma_wait3A_16 : memref<640x128xf32, #tpu.memory_space<vmem_shared>>) dst(%dma_wait3A_14 : memref<640x128xf32, #tpu.memory_space<hbm>>)
      tpu.yield
    }) : () -> ()
    return
  }
}

#map = affine_map<(d0, d1) -> (0, 0)>
#map1 = affine_map<(d0, d1) -> (0)>
#map2 = affine_map<(d0, d1) -> (0, 0, 0)>
module attributes {stable_mosaic.version = 14 : i64} {
  func.func @k(%arg0: i32, %arg1: i32, %arg2: memref<10240x128xf32, #tpu.memory_space<hbm>>, %arg3: memref<323584xi32, #tpu.memory_space<hbm>>, %arg4: memref<323584xi32, #tpu.memory_space<hbm>>, %arg5: memref<2x10240x128xf32, #tpu.memory_space<hbm>>, %arg6: memref<2x10240x128xf32, #tpu.memory_space<hbm>>, %arg7: memref<128xi32, #tpu.memory_space<vmem>>, %arg8: memref<128xi32, #tpu.memory_space<vmem>>, %arg9: memref<128xi32, #tpu.memory_space<vmem>>, %arg10: memref<128xi32, #tpu.memory_space<vmem>>, %arg11: memref<128x128xf32, #tpu.memory_space<vmem>>, %arg12: memref<128x128xf32, #tpu.memory_space<vmem>>, %arg13: memref<10240x128xf32, #tpu.memory_space<vmem_shared>>, %arg14: memref<!tpu.dma_semaphore, #tpu.memory_space<semaphore_mem>>, %arg15: memref<!tpu.dma_semaphore, #tpu.memory_space<semaphore_mem>>) attributes {dimension_semantics = [#tpu.dimension_semantics<core_parallel>, #tpu.dimension_semantics<subcore_parallel>], iteration_bounds = array<i64: 2, 16>, scalar_prefetch = 0 : i64, scratch_operands = 9 : i64, tpu.core_type = #tpu.core_type<sc_vector_subcore>, window_params = [{transform_indices = #map}, {transform_indices = #map1}, {transform_indices = #map1}, {transform_indices = #map2}, {transform_indices = #map2}]} {
    %mul3A = arith.constant 640 : i32
    %mul3A_0 = arith.muli %arg1, %mul3A : i32
    "tpu.region"() ({
      %run_scoped3A = tpu.sem_alloc : memref<!tpu.dma_semaphore, #tpu.memory_space<semaphore_mem>>
      %dma_start3A_22 = arith.constant 0 : i32
      %dma_start3A_23 = tpu.memref_slice %arg13[%mul3A_0, %dma_start3A_22] : memref<10240x128xf32, #tpu.memory_space<vmem_shared>> -> memref<640x128xf32, #tpu.memory_space<vmem_shared>>
      %dma_start3A_24 = arith.constant 0 : i32
      %dma_start3A_25 = tpu.memref_slice %arg5[%arg0, %mul3A_0, %dma_start3A_24] : memref<2x10240x128xf32, #tpu.memory_space<hbm>> -> memref<1x640x128xf32, #tpu.memory_space<hbm>>
      %dma_start3A_26 = tpu.memref_squeeze %dma_start3A_25 : memref<1x640x128xf32, #tpu.memory_space<hbm>> -> memref<640x128xf32, #tpu.memory_space<hbm>>
      tpu.enqueue_dma source(%dma_start3A_26 : memref<640x128xf32, #tpu.memory_space<hbm>>) target(%dma_start3A_23 : memref<640x128xf32, #tpu.memory_space<vmem_shared>>) target_semaphore(%run_scoped3A : memref<!tpu.dma_semaphore, #tpu.memory_space<semaphore_mem>>)
      %dma_wait3A_27 = arith.constant 0 : i32
      %dma_wait3A_28 = tpu.memref_slice %arg13[%mul3A_0, %dma_wait3A_27] : memref<10240x128xf32, #tpu.memory_space<vmem_shared>> -> memref<640x128xf32, #tpu.memory_space<vmem_shared>>
      %dma_wait3A_29 = arith.constant 0 : i32
      %dma_wait3A_30 = tpu.memref_slice %arg5[%arg0, %mul3A_0, %dma_wait3A_29] : memref<2x10240x128xf32, #tpu.memory_space<hbm>> -> memref<1x640x128xf32, #tpu.memory_space<hbm>>
      %dma_wait3A_31 = tpu.memref_squeeze %dma_wait3A_30 : memref<1x640x128xf32, #tpu.memory_space<hbm>> -> memref<640x128xf32, #tpu.memory_space<hbm>>
      tpu.wait_dma2 semaphore(%run_scoped3A : memref<!tpu.dma_semaphore, #tpu.memory_space<semaphore_mem>>) src(%dma_wait3A_31 : memref<640x128xf32, #tpu.memory_space<hbm>>) dst(%dma_wait3A_28 : memref<640x128xf32, #tpu.memory_space<vmem_shared>>)
      tpu.yield
    }) : () -> ()
    %barrier3A = arith.constant 0 : index
    tpu.barrier barrier_id(%barrier3A)
    %mul3A_1 = arith.constant 16 : i32
    %mul3A_2 = arith.muli %arg0, %mul3A_1 : i32
    %add3A = arith.addi %mul3A_2, %arg1 : i32
    %mul3A_3 = arith.constant 10112 : i32
    %mul3A_4 = arith.muli %add3A, %mul3A_3 : i32
    %add3A_5 = arith.constant 0 : i32
    %add3A_6 = arith.addi %mul3A_4, %add3A_5 : i32
    "tpu.region"() ({
      %run_scoped3A = tpu.sem_alloc : memref<!tpu.dma_semaphore, #tpu.memory_space<semaphore_mem>>
      %dma_start3A_22 = tpu.memref_slice %arg3[%add3A_6] : memref<323584xi32, #tpu.memory_space<hbm>> -> memref<128xi32, #tpu.memory_space<hbm>>
      %dma_start3A_23 = tpu.memref_slice %arg3[%add3A_6] : memref<323584xi32, #tpu.memory_space<hbm>> -> memref<128xi32, #tpu.memory_space<hbm>>
      tpu.enqueue_dma source(%dma_start3A_23 : memref<128xi32, #tpu.memory_space<hbm>>) target(%arg7 : memref<128xi32, #tpu.memory_space<vmem>>) target_semaphore(%run_scoped3A : memref<!tpu.dma_semaphore, #tpu.memory_space<semaphore_mem>>)
      %dma_wait3A_24 = tpu.memref_slice %arg3[%add3A_6] : memref<323584xi32, #tpu.memory_space<hbm>> -> memref<128xi32, #tpu.memory_space<hbm>>
      %dma_wait3A_25 = tpu.memref_slice %arg3[%add3A_6] : memref<323584xi32, #tpu.memory_space<hbm>> -> memref<128xi32, #tpu.memory_space<hbm>>
      tpu.wait_dma2 semaphore(%run_scoped3A : memref<!tpu.dma_semaphore, #tpu.memory_space<semaphore_mem>>) src(%dma_wait3A_25 : memref<128xi32, #tpu.memory_space<hbm>>) dst(%arg7 : memref<128xi32, #tpu.memory_space<vmem>>)
      tpu.yield
    }) : () -> ()
    "tpu.region"() ({
      %run_scoped3A = tpu.sem_alloc : memref<!tpu.dma_semaphore, #tpu.memory_space<semaphore_mem>>
      %dma_start3A_22 = tpu.memref_slice %arg4[%add3A_6] : memref<323584xi32, #tpu.memory_space<hbm>> -> memref<128xi32, #tpu.memory_space<hbm>>
      %dma_start3A_23 = tpu.memref_slice %arg4[%add3A_6] : memref<323584xi32, #tpu.memory_space<hbm>> -> memref<128xi32, #tpu.memory_space<hbm>>
      tpu.enqueue_dma source(%dma_start3A_23 : memref<128xi32, #tpu.memory_space<hbm>>) target(%arg9 : memref<128xi32, #tpu.memory_space<vmem>>) target_semaphore(%run_scoped3A : memref<!tpu.dma_semaphore, #tpu.memory_space<semaphore_mem>>)
      %dma_wait3A_24 = tpu.memref_slice %arg4[%add3A_6] : memref<323584xi32, #tpu.memory_space<hbm>> -> memref<128xi32, #tpu.memory_space<hbm>>
      %dma_wait3A_25 = tpu.memref_slice %arg4[%add3A_6] : memref<323584xi32, #tpu.memory_space<hbm>> -> memref<128xi32, #tpu.memory_space<hbm>>
      tpu.wait_dma2 semaphore(%run_scoped3A : memref<!tpu.dma_semaphore, #tpu.memory_space<semaphore_mem>>) src(%dma_wait3A_25 : memref<128xi32, #tpu.memory_space<hbm>>) dst(%arg9 : memref<128xi32, #tpu.memory_space<vmem>>)
      tpu.yield
    }) : () -> ()
    %dma_start3A = arith.constant 0 : i32
    %dma_start3A_7 = arith.constant 0 : i32
    %dma_start3A_8 = tpu.memref_slice %arg2[%dma_start3A, %dma_start3A_7] : memref<10240x128xf32, #tpu.memory_space<hbm>> -> memref<10240x128xf32, #tpu.memory_space<hbm>>
    tpu.enqueue_indirect_dma source(%dma_start3A_8 : memref<10240x128xf32, #tpu.memory_space<hbm>>) target(%arg11 : memref<128x128xf32, #tpu.memory_space<vmem>>) offsets(%arg7 : memref<128xi32, #tpu.memory_space<vmem>>) semaphore(%arg14 : memref<!tpu.dma_semaphore, #tpu.memory_space<semaphore_mem>>)
    %add3A_9 = arith.constant 128 : i32
    %add3A_10 = arith.addi %mul3A_4, %add3A_9 : i32
    "tpu.region"() ({
      %run_scoped3A = tpu.sem_alloc : memref<!tpu.dma_semaphore, #tpu.memory_space<semaphore_mem>>
      %dma_start3A_22 = tpu.memref_slice %arg3[%add3A_10] : memref<323584xi32, #tpu.memory_space<hbm>> -> memref<128xi32, #tpu.memory_space<hbm>>
      %dma_start3A_23 = tpu.memref_slice %arg3[%add3A_10] : memref<323584xi32, #tpu.memory_space<hbm>> -> memref<128xi32, #tpu.memory_space<hbm>>
      tpu.enqueue_dma source(%dma_start3A_23 : memref<128xi32, #tpu.memory_space<hbm>>) target(%arg8 : memref<128xi32, #tpu.memory_space<vmem>>) target_semaphore(%run_scoped3A : memref<!tpu.dma_semaphore, #tpu.memory_space<semaphore_mem>>)
      %dma_wait3A_24 = tpu.memref_slice %arg3[%add3A_10] : memref<323584xi32, #tpu.memory_space<hbm>> -> memref<128xi32, #tpu.memory_space<hbm>>
      %dma_wait3A_25 = tpu.memref_slice %arg3[%add3A_10] : memref<323584xi32, #tpu.memory_space<hbm>> -> memref<128xi32, #tpu.memory_space<hbm>>
      tpu.wait_dma2 semaphore(%run_scoped3A : memref<!tpu.dma_semaphore, #tpu.memory_space<semaphore_mem>>) src(%dma_wait3A_25 : memref<128xi32, #tpu.memory_space<hbm>>) dst(%arg8 : memref<128xi32, #tpu.memory_space<vmem>>)
      tpu.yield
    }) : () -> ()
    "tpu.region"() ({
      %run_scoped3A = tpu.sem_alloc : memref<!tpu.dma_semaphore, #tpu.memory_space<semaphore_mem>>
      %dma_start3A_22 = tpu.memref_slice %arg4[%add3A_10] : memref<323584xi32, #tpu.memory_space<hbm>> -> memref<128xi32, #tpu.memory_space<hbm>>
      %dma_start3A_23 = tpu.memref_slice %arg4[%add3A_10] : memref<323584xi32, #tpu.memory_space<hbm>> -> memref<128xi32, #tpu.memory_space<hbm>>
      tpu.enqueue_dma source(%dma_start3A_23 : memref<128xi32, #tpu.memory_space<hbm>>) target(%arg10 : memref<128xi32, #tpu.memory_space<vmem>>) target_semaphore(%run_scoped3A : memref<!tpu.dma_semaphore, #tpu.memory_space<semaphore_mem>>)
      %dma_wait3A_24 = tpu.memref_slice %arg4[%add3A_10] : memref<323584xi32, #tpu.memory_space<hbm>> -> memref<128xi32, #tpu.memory_space<hbm>>
      %dma_wait3A_25 = tpu.memref_slice %arg4[%add3A_10] : memref<323584xi32, #tpu.memory_space<hbm>> -> memref<128xi32, #tpu.memory_space<hbm>>
      tpu.wait_dma2 semaphore(%run_scoped3A : memref<!tpu.dma_semaphore, #tpu.memory_space<semaphore_mem>>) src(%dma_wait3A_25 : memref<128xi32, #tpu.memory_space<hbm>>) dst(%arg10 : memref<128xi32, #tpu.memory_space<vmem>>)
      tpu.yield
    }) : () -> ()
    %dma_start3A_11 = arith.constant 0 : i32
    %dma_start3A_12 = arith.constant 0 : i32
    %dma_start3A_13 = tpu.memref_slice %arg2[%dma_start3A_11, %dma_start3A_12] : memref<10240x128xf32, #tpu.memory_space<hbm>> -> memref<10240x128xf32, #tpu.memory_space<hbm>>
    tpu.enqueue_indirect_dma source(%dma_start3A_13 : memref<10240x128xf32, #tpu.memory_space<hbm>>) target(%arg12 : memref<128x128xf32, #tpu.memory_space<vmem>>) offsets(%arg8 : memref<128xi32, #tpu.memory_space<vmem>>) semaphore(%arg15 : memref<!tpu.dma_semaphore, #tpu.memory_space<semaphore_mem>>)
    %scan3A = arith.constant 0 : i32
    %scan3A_14 = arith.constant 0 : i32
    %scan3A_15 = arith.constant 39 : i32
    %scan3A_16 = arith.addi %scan3A_14, %scan3A_15 : i32
    %scan3A_17 = arith.constant 1 : i32
    scf.for %scan3A_22 = %scan3A_14 to %scan3A_16 step %scan3A_17  : i32 {
      %mul3A_23 = arith.constant 2 : i32
      %mul3A_24 = arith.muli %mul3A_23, %scan3A_22 : i32
      %add3A_25 = arith.constant 0 : i32
      %add3A_26 = arith.addi %mul3A_24, %add3A_25 : i32
      %dma_wait3A_27 = arith.constant 0 : i32
      %dma_wait3A_28 = arith.constant 0 : i32
      %dma_wait3A_29 = tpu.memref_slice %arg2[%dma_wait3A_27, %dma_wait3A_28] : memref<10240x128xf32, #tpu.memory_space<hbm>> -> memref<10240x128xf32, #tpu.memory_space<hbm>>
      tpu.wait_indirect_dma semaphore(%arg14 : memref<!tpu.dma_semaphore, #tpu.memory_space<semaphore_mem>>) src(%dma_wait3A_29 : memref<10240x128xf32, #tpu.memory_space<hbm>>) dst(%arg11 : memref<128x128xf32, #tpu.memory_space<vmem>>)
      "tpu.region"() ({
        %run_scoped3A = tpu.sem_alloc : memref<!tpu.dma_semaphore, #tpu.memory_space<semaphore_mem>>
        %dma_start3A_48 = arith.constant 0 : i32
        %dma_start3A_49 = arith.constant 0 : i32
        %dma_start3A_50 = tpu.memref_slice %arg13[%dma_start3A_48, %dma_start3A_49] : memref<10240x128xf32, #tpu.memory_space<vmem_shared>> -> memref<10240x128xf32, #tpu.memory_space<vmem_shared>>
        tpu.enqueue_indirect_dma source(%arg11 : memref<128x128xf32, #tpu.memory_space<vmem>>) target(%dma_start3A_50 : memref<10240x128xf32, #tpu.memory_space<vmem_shared>>) offsets(%arg9 : memref<128xi32, #tpu.memory_space<vmem>>) semaphore(%run_scoped3A : memref<!tpu.dma_semaphore, #tpu.memory_space<semaphore_mem>>) {add = true}
        %dma_wait3A_51 = arith.constant 0 : i32
        %dma_wait3A_52 = arith.constant 0 : i32
        %dma_wait3A_53 = tpu.memref_slice %arg13[%dma_wait3A_51, %dma_wait3A_52] : memref<10240x128xf32, #tpu.memory_space<vmem_shared>> -> memref<10240x128xf32, #tpu.memory_space<vmem_shared>>
        tpu.wait_indirect_dma semaphore(%run_scoped3A : memref<!tpu.dma_semaphore, #tpu.memory_space<semaphore_mem>>) src(%arg11 : memref<128x128xf32, #tpu.memory_space<vmem>>) dst(%dma_wait3A_53 : memref<10240x128xf32, #tpu.memory_space<vmem_shared>>)
        tpu.yield
      }) : () -> ()
      %add3A_30 = arith.constant 2 : i32
      %add3A_31 = arith.addi %add3A_26, %add3A_30 : i32
      %lt3A = arith.constant 79 : i32
      %lt3A_32 = arith.cmpi slt, %add3A_31, %lt3A : i32
      %convert_element_type3A = arith.extui %lt3A_32 : i1 to i32
      %cond3A = arith.constant 0 : i32
      %cond3A_33 = arith.cmpi ne, %convert_element_type3A, %cond3A : i32
      scf.if %cond3A_33 {
        %add3A_48 = arith.constant 2 : i32
        %add3A_49 = arith.addi %add3A_26, %add3A_48 : i32
        %mul3A_50 = arith.constant 128 : i32
        %mul3A_51 = arith.muli %add3A_49, %mul3A_50 : i32
        %add3A_52 = arith.addi %mul3A_4, %mul3A_51 : i32
        "tpu.region"() ({
          %run_scoped3A = tpu.sem_alloc : memref<!tpu.dma_semaphore, #tpu.memory_space<semaphore_mem>>
          %dma_start3A_56 = tpu.memref_slice %arg3[%add3A_52] : memref<323584xi32, #tpu.memory_space<hbm>> -> memref<128xi32, #tpu.memory_space<hbm>>
          %dma_start3A_57 = tpu.memref_slice %arg3[%add3A_52] : memref<323584xi32, #tpu.memory_space<hbm>> -> memref<128xi32, #tpu.memory_space<hbm>>
          tpu.enqueue_dma source(%dma_start3A_57 : memref<128xi32, #tpu.memory_space<hbm>>) target(%arg7 : memref<128xi32, #tpu.memory_space<vmem>>) target_semaphore(%run_scoped3A : memref<!tpu.dma_semaphore, #tpu.memory_space<semaphore_mem>>)
          %dma_wait3A_58 = tpu.memref_slice %arg3[%add3A_52] : memref<323584xi32, #tpu.memory_space<hbm>> -> memref<128xi32, #tpu.memory_space<hbm>>
          %dma_wait3A_59 = tpu.memref_slice %arg3[%add3A_52] : memref<323584xi32, #tpu.memory_space<hbm>> -> memref<128xi32, #tpu.memory_space<hbm>>
          tpu.wait_dma2 semaphore(%run_scoped3A : memref<!tpu.dma_semaphore, #tpu.memory_space<semaphore_mem>>) src(%dma_wait3A_59 : memref<128xi32, #tpu.memory_space<hbm>>) dst(%arg7 : memref<128xi32, #tpu.memory_space<vmem>>)
          tpu.yield
        }) : () -> ()
        "tpu.region"() ({
          %run_scoped3A = tpu.sem_alloc : memref<!tpu.dma_semaphore, #tpu.memory_space<semaphore_mem>>
          %dma_start3A_56 = tpu.memref_slice %arg4[%add3A_52] : memref<323584xi32, #tpu.memory_space<hbm>> -> memref<128xi32, #tpu.memory_space<hbm>>
          %dma_start3A_57 = tpu.memref_slice %arg4[%add3A_52] : memref<323584xi32, #tpu.memory_space<hbm>> -> memref<128xi32, #tpu.memory_space<hbm>>
          tpu.enqueue_dma source(%dma_start3A_57 : memref<128xi32, #tpu.memory_space<hbm>>) target(%arg9 : memref<128xi32, #tpu.memory_space<vmem>>) target_semaphore(%run_scoped3A : memref<!tpu.dma_semaphore, #tpu.memory_space<semaphore_mem>>)
          %dma_wait3A_58 = tpu.memref_slice %arg4[%add3A_52] : memref<323584xi32, #tpu.memory_space<hbm>> -> memref<128xi32, #tpu.memory_space<hbm>>
          %dma_wait3A_59 = tpu.memref_slice %arg4[%add3A_52] : memref<323584xi32, #tpu.memory_space<hbm>> -> memref<128xi32, #tpu.memory_space<hbm>>
          tpu.wait_dma2 semaphore(%run_scoped3A : memref<!tpu.dma_semaphore, #tpu.memory_space<semaphore_mem>>) src(%dma_wait3A_59 : memref<128xi32, #tpu.memory_space<hbm>>) dst(%arg9 : memref<128xi32, #tpu.memory_space<vmem>>)
          tpu.yield
        }) : () -> ()
        %dma_start3A_53 = arith.constant 0 : i32
        %dma_start3A_54 = arith.constant 0 : i32
        %dma_start3A_55 = tpu.memref_slice %arg2[%dma_start3A_53, %dma_start3A_54] : memref<10240x128xf32, #tpu.memory_space<hbm>> -> memref<10240x128xf32, #tpu.memory_space<hbm>>
        tpu.enqueue_indirect_dma source(%dma_start3A_55 : memref<10240x128xf32, #tpu.memory_space<hbm>>) target(%arg11 : memref<128x128xf32, #tpu.memory_space<vmem>>) offsets(%arg7 : memref<128xi32, #tpu.memory_space<vmem>>) semaphore(%arg14 : memref<!tpu.dma_semaphore, #tpu.memory_space<semaphore_mem>>)
      } else {
      }
      %mul3A_34 = arith.constant 2 : i32
      %mul3A_35 = arith.muli %mul3A_34, %scan3A_22 : i32
      %add3A_36 = arith.constant 1 : i32
      %add3A_37 = arith.addi %mul3A_35, %add3A_36 : i32
      %dma_wait3A_38 = arith.constant 0 : i32
      %dma_wait3A_39 = arith.constant 0 : i32
      %dma_wait3A_40 = tpu.memref_slice %arg2[%dma_wait3A_38, %dma_wait3A_39] : memref<10240x128xf32, #tpu.memory_space<hbm>> -> memref<10240x128xf32, #tpu.memory_space<hbm>>
      tpu.wait_indirect_dma semaphore(%arg15 : memref<!tpu.dma_semaphore, #tpu.memory_space<semaphore_mem>>) src(%dma_wait3A_40 : memref<10240x128xf32, #tpu.memory_space<hbm>>) dst(%arg12 : memref<128x128xf32, #tpu.memory_space<vmem>>)
      "tpu.region"() ({
        %run_scoped3A = tpu.sem_alloc : memref<!tpu.dma_semaphore, #tpu.memory_space<semaphore_mem>>
        %dma_start3A_48 = arith.constant 0 : i32
        %dma_start3A_49 = arith.constant 0 : i32
        %dma_start3A_50 = tpu.memref_slice %arg13[%dma_start3A_48, %dma_start3A_49] : memref<10240x128xf32, #tpu.memory_space<vmem_shared>> -> memref<10240x128xf32, #tpu.memory_space<vmem_shared>>
        tpu.enqueue_indirect_dma source(%arg12 : memref<128x128xf32, #tpu.memory_space<vmem>>) target(%dma_start3A_50 : memref<10240x128xf32, #tpu.memory_space<vmem_shared>>) offsets(%arg10 : memref<128xi32, #tpu.memory_space<vmem>>) semaphore(%run_scoped3A : memref<!tpu.dma_semaphore, #tpu.memory_space<semaphore_mem>>) {add = true}
        %dma_wait3A_51 = arith.constant 0 : i32
        %dma_wait3A_52 = arith.constant 0 : i32
        %dma_wait3A_53 = tpu.memref_slice %arg13[%dma_wait3A_51, %dma_wait3A_52] : memref<10240x128xf32, #tpu.memory_space<vmem_shared>> -> memref<10240x128xf32, #tpu.memory_space<vmem_shared>>
        tpu.wait_indirect_dma semaphore(%run_scoped3A : memref<!tpu.dma_semaphore, #tpu.memory_space<semaphore_mem>>) src(%arg12 : memref<128x128xf32, #tpu.memory_space<vmem>>) dst(%dma_wait3A_53 : memref<10240x128xf32, #tpu.memory_space<vmem_shared>>)
        tpu.yield
      }) : () -> ()
      %add3A_41 = arith.constant 2 : i32
      %add3A_42 = arith.addi %add3A_37, %add3A_41 : i32
      %lt3A_43 = arith.constant 79 : i32
      %lt3A_44 = arith.cmpi slt, %add3A_42, %lt3A_43 : i32
      %convert_element_type3A_45 = arith.extui %lt3A_44 : i1 to i32
      %cond3A_46 = arith.constant 0 : i32
      %cond3A_47 = arith.cmpi ne, %convert_element_type3A_45, %cond3A_46 : i32
      scf.if %cond3A_47 {
        %add3A_48 = arith.constant 2 : i32
        %add3A_49 = arith.addi %add3A_37, %add3A_48 : i32
        %mul3A_50 = arith.constant 128 : i32
        %mul3A_51 = arith.muli %add3A_49, %mul3A_50 : i32
        %add3A_52 = arith.addi %mul3A_4, %mul3A_51 : i32
        "tpu.region"() ({
          %run_scoped3A = tpu.sem_alloc : memref<!tpu.dma_semaphore, #tpu.memory_space<semaphore_mem>>
          %dma_start3A_56 = tpu.memref_slice %arg3[%add3A_52] : memref<323584xi32, #tpu.memory_space<hbm>> -> memref<128xi32, #tpu.memory_space<hbm>>
          %dma_start3A_57 = tpu.memref_slice %arg3[%add3A_52] : memref<323584xi32, #tpu.memory_space<hbm>> -> memref<128xi32, #tpu.memory_space<hbm>>
          tpu.enqueue_dma source(%dma_start3A_57 : memref<128xi32, #tpu.memory_space<hbm>>) target(%arg8 : memref<128xi32, #tpu.memory_space<vmem>>) target_semaphore(%run_scoped3A : memref<!tpu.dma_semaphore, #tpu.memory_space<semaphore_mem>>)
          %dma_wait3A_58 = tpu.memref_slice %arg3[%add3A_52] : memref<323584xi32, #tpu.memory_space<hbm>> -> memref<128xi32, #tpu.memory_space<hbm>>
          %dma_wait3A_59 = tpu.memref_slice %arg3[%add3A_52] : memref<323584xi32, #tpu.memory_space<hbm>> -> memref<128xi32, #tpu.memory_space<hbm>>
          tpu.wait_dma2 semaphore(%run_scoped3A : memref<!tpu.dma_semaphore, #tpu.memory_space<semaphore_mem>>) src(%dma_wait3A_59 : memref<128xi32, #tpu.memory_space<hbm>>) dst(%arg8 : memref<128xi32, #tpu.memory_space<vmem>>)
          tpu.yield
        }) : () -> ()
        "tpu.region"() ({
          %run_scoped3A = tpu.sem_alloc : memref<!tpu.dma_semaphore, #tpu.memory_space<semaphore_mem>>
          %dma_start3A_56 = tpu.memref_slice %arg4[%add3A_52] : memref<323584xi32, #tpu.memory_space<hbm>> -> memref<128xi32, #tpu.memory_space<hbm>>
          %dma_start3A_57 = tpu.memref_slice %arg4[%add3A_52] : memref<323584xi32, #tpu.memory_space<hbm>> -> memref<128xi32, #tpu.memory_space<hbm>>
          tpu.enqueue_dma source(%dma_start3A_57 : memref<128xi32, #tpu.memory_space<hbm>>) target(%arg10 : memref<128xi32, #tpu.memory_space<vmem>>) target_semaphore(%run_scoped3A : memref<!tpu.dma_semaphore, #tpu.memory_space<semaphore_mem>>)
          %dma_wait3A_58 = tpu.memref_slice %arg4[%add3A_52] : memref<323584xi32, #tpu.memory_space<hbm>> -> memref<128xi32, #tpu.memory_space<hbm>>
          %dma_wait3A_59 = tpu.memref_slice %arg4[%add3A_52] : memref<323584xi32, #tpu.memory_space<hbm>> -> memref<128xi32, #tpu.memory_space<hbm>>
          tpu.wait_dma2 semaphore(%run_scoped3A : memref<!tpu.dma_semaphore, #tpu.memory_space<semaphore_mem>>) src(%dma_wait3A_59 : memref<128xi32, #tpu.memory_space<hbm>>) dst(%arg10 : memref<128xi32, #tpu.memory_space<vmem>>)
          tpu.yield
        }) : () -> ()
        %dma_start3A_53 = arith.constant 0 : i32
        %dma_start3A_54 = arith.constant 0 : i32
        %dma_start3A_55 = tpu.memref_slice %arg2[%dma_start3A_53, %dma_start3A_54] : memref<10240x128xf32, #tpu.memory_space<hbm>> -> memref<10240x128xf32, #tpu.memory_space<hbm>>
        tpu.enqueue_indirect_dma source(%dma_start3A_55 : memref<10240x128xf32, #tpu.memory_space<hbm>>) target(%arg12 : memref<128x128xf32, #tpu.memory_space<vmem>>) offsets(%arg8 : memref<128xi32, #tpu.memory_space<vmem>>) semaphore(%arg15 : memref<!tpu.dma_semaphore, #tpu.memory_space<semaphore_mem>>)
      } else {
      }
    }
    %scan3A_18 = arith.constant 39 : i32
    %dma_wait3A = arith.constant 0 : i32
    %dma_wait3A_19 = arith.constant 0 : i32
    %dma_wait3A_20 = tpu.memref_slice %arg2[%dma_wait3A, %dma_wait3A_19] : memref<10240x128xf32, #tpu.memory_space<hbm>> -> memref<10240x128xf32, #tpu.memory_space<hbm>>
    tpu.wait_indirect_dma semaphore(%arg14 : memref<!tpu.dma_semaphore, #tpu.memory_space<semaphore_mem>>) src(%dma_wait3A_20 : memref<10240x128xf32, #tpu.memory_space<hbm>>) dst(%arg11 : memref<128x128xf32, #tpu.memory_space<vmem>>)
    "tpu.region"() ({
      %run_scoped3A = tpu.sem_alloc : memref<!tpu.dma_semaphore, #tpu.memory_space<semaphore_mem>>
      %dma_start3A_22 = arith.constant 0 : i32
      %dma_start3A_23 = arith.constant 0 : i32
      %dma_start3A_24 = tpu.memref_slice %arg13[%dma_start3A_22, %dma_start3A_23] : memref<10240x128xf32, #tpu.memory_space<vmem_shared>> -> memref<10240x128xf32, #tpu.memory_space<vmem_shared>>
      tpu.enqueue_indirect_dma source(%arg11 : memref<128x128xf32, #tpu.memory_space<vmem>>) target(%dma_start3A_24 : memref<10240x128xf32, #tpu.memory_space<vmem_shared>>) offsets(%arg9 : memref<128xi32, #tpu.memory_space<vmem>>) semaphore(%run_scoped3A : memref<!tpu.dma_semaphore, #tpu.memory_space<semaphore_mem>>) {add = true}
      %dma_wait3A_25 = arith.constant 0 : i32
      %dma_wait3A_26 = arith.constant 0 : i32
      %dma_wait3A_27 = tpu.memref_slice %arg13[%dma_wait3A_25, %dma_wait3A_26] : memref<10240x128xf32, #tpu.memory_space<vmem_shared>> -> memref<10240x128xf32, #tpu.memory_space<vmem_shared>>
      tpu.wait_indirect_dma semaphore(%run_scoped3A : memref<!tpu.dma_semaphore, #tpu.memory_space<semaphore_mem>>) src(%arg11 : memref<128x128xf32, #tpu.memory_space<vmem>>) dst(%dma_wait3A_27 : memref<10240x128xf32, #tpu.memory_space<vmem_shared>>)
      tpu.yield
    }) : () -> ()
    %barrier3A_21 = arith.constant 0 : index
    tpu.barrier barrier_id(%barrier3A_21)
    "tpu.region"() ({
      %run_scoped3A = tpu.sem_alloc : memref<!tpu.dma_semaphore, #tpu.memory_space<semaphore_mem>>
      %dma_start3A_22 = arith.constant 0 : i32
      %dma_start3A_23 = tpu.memref_slice %arg6[%arg0, %mul3A_0, %dma_start3A_22] : memref<2x10240x128xf32, #tpu.memory_space<hbm>> -> memref<1x640x128xf32, #tpu.memory_space<hbm>>
      %dma_start3A_24 = tpu.memref_squeeze %dma_start3A_23 : memref<1x640x128xf32, #tpu.memory_space<hbm>> -> memref<640x128xf32, #tpu.memory_space<hbm>>
      %dma_start3A_25 = arith.constant 0 : i32
      %dma_start3A_26 = tpu.memref_slice %arg13[%mul3A_0, %dma_start3A_25] : memref<10240x128xf32, #tpu.memory_space<vmem_shared>> -> memref<640x128xf32, #tpu.memory_space<vmem_shared>>
      tpu.enqueue_dma source(%dma_start3A_26 : memref<640x128xf32, #tpu.memory_space<vmem_shared>>) target(%dma_start3A_24 : memref<640x128xf32, #tpu.memory_space<hbm>>) target_semaphore(%run_scoped3A : memref<!tpu.dma_semaphore, #tpu.memory_space<semaphore_mem>>)
      %dma_wait3A_27 = arith.constant 0 : i32
      %dma_wait3A_28 = tpu.memref_slice %arg6[%arg0, %mul3A_0, %dma_wait3A_27] : memref<2x10240x128xf32, #tpu.memory_space<hbm>> -> memref<1x640x128xf32, #tpu.memory_space<hbm>>
      %dma_wait3A_29 = tpu.memref_squeeze %dma_wait3A_28 : memref<1x640x128xf32, #tpu.memory_space<hbm>> -> memref<640x128xf32, #tpu.memory_space<hbm>>
      %dma_wait3A_30 = arith.constant 0 : i32
      %dma_wait3A_31 = tpu.memref_slice %arg13[%mul3A_0, %dma_wait3A_30] : memref<10240x128xf32, #tpu.memory_space<vmem_shared>> -> memref<640x128xf32, #tpu.memory_space<vmem_shared>>
      tpu.wait_dma2 semaphore(%run_scoped3A : memref<!tpu.dma_semaphore, #tpu.memory_space<semaphore_mem>>) src(%dma_wait3A_31 : memref<640x128xf32, #tpu.memory_space<vmem_shared>>) dst(%dma_wait3A_29 : memref<640x128xf32, #tpu.memory_space<hbm>>)
      tpu.yield
    }) : () -> ()
    return
  }
}

#map = affine_map<(d0, d1) -> (0, 0)>
#map1 = affine_map<(d0, d1) -> (0)>
#map2 = affine_map<(d0, d1) -> (0, 0, 0)>
module attributes {stable_mosaic.version = 14 : i64} {
  func.func @k(%arg0: i32, %arg1: i32, %arg2: memref<10240x128xf32, #tpu.memory_space<hbm>>, %arg3: memref<323584xi32, #tpu.memory_space<hbm>>, %arg4: memref<323584xi32, #tpu.memory_space<hbm>>, %arg5: memref<2x10240x128xf32, #tpu.memory_space<hbm>>, %arg6: memref<2x10240x128xf32, #tpu.memory_space<hbm>>, %arg7: memref<128xi32, #tpu.memory_space<vmem>>, %arg8: memref<128xi32, #tpu.memory_space<vmem>>, %arg9: memref<128xi32, #tpu.memory_space<vmem>>, %arg10: memref<128xi32, #tpu.memory_space<vmem>>, %arg11: memref<128x128xf32, #tpu.memory_space<vmem>>, %arg12: memref<128x128xf32, #tpu.memory_space<vmem>>, %arg13: memref<10240x128xf32, #tpu.memory_space<vmem_shared>>, %arg14: memref<!tpu.dma_semaphore, #tpu.memory_space<semaphore_mem>>, %arg15: memref<!tpu.dma_semaphore, #tpu.memory_space<semaphore_mem>>) attributes {dimension_semantics = [#tpu.dimension_semantics<core_parallel>, #tpu.dimension_semantics<subcore_parallel>], iteration_bounds = array<i64: 2, 16>, scalar_prefetch = 0 : i64, scratch_operands = 9 : i64, tpu.core_type = #tpu.core_type<sc_vector_subcore>, window_params = [{transform_indices = #map}, {transform_indices = #map1}, {transform_indices = #map1}, {transform_indices = #map2}, {transform_indices = #map2}]} {
    %mul3A = arith.constant 640 : i32
    %mul3A_0 = arith.muli %arg1, %mul3A : i32
    "tpu.region"() ({
      %run_scoped3A = tpu.sem_alloc : memref<!tpu.dma_semaphore, #tpu.memory_space<semaphore_mem>>
      %dma_start3A_22 = arith.constant 0 : i32
      %dma_start3A_23 = tpu.memref_slice %arg13[%mul3A_0, %dma_start3A_22] : memref<10240x128xf32, #tpu.memory_space<vmem_shared>> -> memref<640x128xf32, #tpu.memory_space<vmem_shared>>
      %dma_start3A_24 = arith.constant 0 : i32
      %dma_start3A_25 = tpu.memref_slice %arg5[%arg0, %mul3A_0, %dma_start3A_24] : memref<2x10240x128xf32, #tpu.memory_space<hbm>> -> memref<1x640x128xf32, #tpu.memory_space<hbm>>
      %dma_start3A_26 = tpu.memref_squeeze %dma_start3A_25 : memref<1x640x128xf32, #tpu.memory_space<hbm>> -> memref<640x128xf32, #tpu.memory_space<hbm>>
      tpu.enqueue_dma source(%dma_start3A_26 : memref<640x128xf32, #tpu.memory_space<hbm>>) target(%dma_start3A_23 : memref<640x128xf32, #tpu.memory_space<vmem_shared>>) target_semaphore(%run_scoped3A : memref<!tpu.dma_semaphore, #tpu.memory_space<semaphore_mem>>)
      %dma_wait3A_27 = arith.constant 0 : i32
      %dma_wait3A_28 = tpu.memref_slice %arg13[%mul3A_0, %dma_wait3A_27] : memref<10240x128xf32, #tpu.memory_space<vmem_shared>> -> memref<640x128xf32, #tpu.memory_space<vmem_shared>>
      %dma_wait3A_29 = arith.constant 0 : i32
      %dma_wait3A_30 = tpu.memref_slice %arg5[%arg0, %mul3A_0, %dma_wait3A_29] : memref<2x10240x128xf32, #tpu.memory_space<hbm>> -> memref<1x640x128xf32, #tpu.memory_space<hbm>>
      %dma_wait3A_31 = tpu.memref_squeeze %dma_wait3A_30 : memref<1x640x128xf32, #tpu.memory_space<hbm>> -> memref<640x128xf32, #tpu.memory_space<hbm>>
      tpu.wait_dma2 semaphore(%run_scoped3A : memref<!tpu.dma_semaphore, #tpu.memory_space<semaphore_mem>>) src(%dma_wait3A_31 : memref<640x128xf32, #tpu.memory_space<hbm>>) dst(%dma_wait3A_28 : memref<640x128xf32, #tpu.memory_space<vmem_shared>>)
      tpu.yield
    }) : () -> ()
    %barrier3A = arith.constant 0 : index
    tpu.barrier barrier_id(%barrier3A)
    %mul3A_1 = arith.constant 16 : i32
    %mul3A_2 = arith.muli %arg0, %mul3A_1 : i32
    %add3A = arith.addi %mul3A_2, %arg1 : i32
    %mul3A_3 = arith.constant 10112 : i32
    %mul3A_4 = arith.muli %add3A, %mul3A_3 : i32
    %add3A_5 = arith.constant 0 : i32
    %add3A_6 = arith.addi %mul3A_4, %add3A_5 : i32
    "tpu.region"() ({
      %run_scoped3A = tpu.sem_alloc : memref<!tpu.dma_semaphore, #tpu.memory_space<semaphore_mem>>
      %dma_start3A_22 = tpu.memref_slice %arg3[%add3A_6] : memref<323584xi32, #tpu.memory_space<hbm>> -> memref<128xi32, #tpu.memory_space<hbm>>
      %dma_start3A_23 = tpu.memref_slice %arg3[%add3A_6] : memref<323584xi32, #tpu.memory_space<hbm>> -> memref<128xi32, #tpu.memory_space<hbm>>
      tpu.enqueue_dma source(%dma_start3A_23 : memref<128xi32, #tpu.memory_space<hbm>>) target(%arg7 : memref<128xi32, #tpu.memory_space<vmem>>) target_semaphore(%run_scoped3A : memref<!tpu.dma_semaphore, #tpu.memory_space<semaphore_mem>>)
      %dma_wait3A_24 = tpu.memref_slice %arg3[%add3A_6] : memref<323584xi32, #tpu.memory_space<hbm>> -> memref<128xi32, #tpu.memory_space<hbm>>
      %dma_wait3A_25 = tpu.memref_slice %arg3[%add3A_6] : memref<323584xi32, #tpu.memory_space<hbm>> -> memref<128xi32, #tpu.memory_space<hbm>>
      tpu.wait_dma2 semaphore(%run_scoped3A : memref<!tpu.dma_semaphore, #tpu.memory_space<semaphore_mem>>) src(%dma_wait3A_25 : memref<128xi32, #tpu.memory_space<hbm>>) dst(%arg7 : memref<128xi32, #tpu.memory_space<vmem>>)
      tpu.yield
    }) : () -> ()
    "tpu.region"() ({
      %run_scoped3A = tpu.sem_alloc : memref<!tpu.dma_semaphore, #tpu.memory_space<semaphore_mem>>
      %dma_start3A_22 = tpu.memref_slice %arg4[%add3A_6] : memref<323584xi32, #tpu.memory_space<hbm>> -> memref<128xi32, #tpu.memory_space<hbm>>
      %dma_start3A_23 = tpu.memref_slice %arg4[%add3A_6] : memref<323584xi32, #tpu.memory_space<hbm>> -> memref<128xi32, #tpu.memory_space<hbm>>
      tpu.enqueue_dma source(%dma_start3A_23 : memref<128xi32, #tpu.memory_space<hbm>>) target(%arg9 : memref<128xi32, #tpu.memory_space<vmem>>) target_semaphore(%run_scoped3A : memref<!tpu.dma_semaphore, #tpu.memory_space<semaphore_mem>>)
      %dma_wait3A_24 = tpu.memref_slice %arg4[%add3A_6] : memref<323584xi32, #tpu.memory_space<hbm>> -> memref<128xi32, #tpu.memory_space<hbm>>
      %dma_wait3A_25 = tpu.memref_slice %arg4[%add3A_6] : memref<323584xi32, #tpu.memory_space<hbm>> -> memref<128xi32, #tpu.memory_space<hbm>>
      tpu.wait_dma2 semaphore(%run_scoped3A : memref<!tpu.dma_semaphore, #tpu.memory_space<semaphore_mem>>) src(%dma_wait3A_25 : memref<128xi32, #tpu.memory_space<hbm>>) dst(%arg9 : memref<128xi32, #tpu.memory_space<vmem>>)
      tpu.yield
    }) : () -> ()
    %dma_start3A = arith.constant 0 : i32
    %dma_start3A_7 = arith.constant 0 : i32
    %dma_start3A_8 = tpu.memref_slice %arg2[%dma_start3A, %dma_start3A_7] : memref<10240x128xf32, #tpu.memory_space<hbm>> -> memref<10240x128xf32, #tpu.memory_space<hbm>>
    tpu.enqueue_indirect_dma source(%dma_start3A_8 : memref<10240x128xf32, #tpu.memory_space<hbm>>) target(%arg11 : memref<128x128xf32, #tpu.memory_space<vmem>>) offsets(%arg7 : memref<128xi32, #tpu.memory_space<vmem>>) semaphore(%arg14 : memref<!tpu.dma_semaphore, #tpu.memory_space<semaphore_mem>>)
    %add3A_9 = arith.constant 128 : i32
    %add3A_10 = arith.addi %mul3A_4, %add3A_9 : i32
    "tpu.region"() ({
      %run_scoped3A = tpu.sem_alloc : memref<!tpu.dma_semaphore, #tpu.memory_space<semaphore_mem>>
      %dma_start3A_22 = tpu.memref_slice %arg3[%add3A_10] : memref<323584xi32, #tpu.memory_space<hbm>> -> memref<128xi32, #tpu.memory_space<hbm>>
      %dma_start3A_23 = tpu.memref_slice %arg3[%add3A_10] : memref<323584xi32, #tpu.memory_space<hbm>> -> memref<128xi32, #tpu.memory_space<hbm>>
      tpu.enqueue_dma source(%dma_start3A_23 : memref<128xi32, #tpu.memory_space<hbm>>) target(%arg8 : memref<128xi32, #tpu.memory_space<vmem>>) target_semaphore(%run_scoped3A : memref<!tpu.dma_semaphore, #tpu.memory_space<semaphore_mem>>)
      %dma_wait3A_24 = tpu.memref_slice %arg3[%add3A_10] : memref<323584xi32, #tpu.memory_space<hbm>> -> memref<128xi32, #tpu.memory_space<hbm>>
      %dma_wait3A_25 = tpu.memref_slice %arg3[%add3A_10] : memref<323584xi32, #tpu.memory_space<hbm>> -> memref<128xi32, #tpu.memory_space<hbm>>
      tpu.wait_dma2 semaphore(%run_scoped3A : memref<!tpu.dma_semaphore, #tpu.memory_space<semaphore_mem>>) src(%dma_wait3A_25 : memref<128xi32, #tpu.memory_space<hbm>>) dst(%arg8 : memref<128xi32, #tpu.memory_space<vmem>>)
      tpu.yield
    }) : () -> ()
    "tpu.region"() ({
      %run_scoped3A = tpu.sem_alloc : memref<!tpu.dma_semaphore, #tpu.memory_space<semaphore_mem>>
      %dma_start3A_22 = tpu.memref_slice %arg4[%add3A_10] : memref<323584xi32, #tpu.memory_space<hbm>> -> memref<128xi32, #tpu.memory_space<hbm>>
      %dma_start3A_23 = tpu.memref_slice %arg4[%add3A_10] : memref<323584xi32, #tpu.memory_space<hbm>> -> memref<128xi32, #tpu.memory_space<hbm>>
      tpu.enqueue_dma source(%dma_start3A_23 : memref<128xi32, #tpu.memory_space<hbm>>) target(%arg10 : memref<128xi32, #tpu.memory_space<vmem>>) target_semaphore(%run_scoped3A : memref<!tpu.dma_semaphore, #tpu.memory_space<semaphore_mem>>)
      %dma_wait3A_24 = tpu.memref_slice %arg4[%add3A_10] : memref<323584xi32, #tpu.memory_space<hbm>> -> memref<128xi32, #tpu.memory_space<hbm>>
      %dma_wait3A_25 = tpu.memref_slice %arg4[%add3A_10] : memref<323584xi32, #tpu.memory_space<hbm>> -> memref<128xi32, #tpu.memory_space<hbm>>
      tpu.wait_dma2 semaphore(%run_scoped3A : memref<!tpu.dma_semaphore, #tpu.memory_space<semaphore_mem>>) src(%dma_wait3A_25 : memref<128xi32, #tpu.memory_space<hbm>>) dst(%arg10 : memref<128xi32, #tpu.memory_space<vmem>>)
      tpu.yield
    }) : () -> ()
    %dma_start3A_11 = arith.constant 0 : i32
    %dma_start3A_12 = arith.constant 0 : i32
    %dma_start3A_13 = tpu.memref_slice %arg2[%dma_start3A_11, %dma_start3A_12] : memref<10240x128xf32, #tpu.memory_space<hbm>> -> memref<10240x128xf32, #tpu.memory_space<hbm>>
    tpu.enqueue_indirect_dma source(%dma_start3A_13 : memref<10240x128xf32, #tpu.memory_space<hbm>>) target(%arg12 : memref<128x128xf32, #tpu.memory_space<vmem>>) offsets(%arg8 : memref<128xi32, #tpu.memory_space<vmem>>) semaphore(%arg15 : memref<!tpu.dma_semaphore, #tpu.memory_space<semaphore_mem>>)
    %scan3A = arith.constant 0 : i32
    %scan3A_14 = arith.constant 0 : i32
    %scan3A_15 = arith.constant 39 : i32
    %scan3A_16 = arith.addi %scan3A_14, %scan3A_15 : i32
    %scan3A_17 = arith.constant 1 : i32
    scf.for %scan3A_22 = %scan3A_14 to %scan3A_16 step %scan3A_17  : i32 {
      %mul3A_23 = arith.constant 2 : i32
      %mul3A_24 = arith.muli %mul3A_23, %scan3A_22 : i32
      %add3A_25 = arith.constant 0 : i32
      %add3A_26 = arith.addi %mul3A_24, %add3A_25 : i32
      %dma_wait3A_27 = arith.constant 0 : i32
      %dma_wait3A_28 = arith.constant 0 : i32
      %dma_wait3A_29 = tpu.memref_slice %arg2[%dma_wait3A_27, %dma_wait3A_28] : memref<10240x128xf32, #tpu.memory_space<hbm>> -> memref<10240x128xf32, #tpu.memory_space<hbm>>
      tpu.wait_indirect_dma semaphore(%arg14 : memref<!tpu.dma_semaphore, #tpu.memory_space<semaphore_mem>>) src(%dma_wait3A_29 : memref<10240x128xf32, #tpu.memory_space<hbm>>) dst(%arg11 : memref<128x128xf32, #tpu.memory_space<vmem>>)
      "tpu.region"() ({
        %run_scoped3A = tpu.sem_alloc : memref<!tpu.dma_semaphore, #tpu.memory_space<semaphore_mem>>
        %dma_start3A_48 = arith.constant 0 : i32
        %dma_start3A_49 = arith.constant 0 : i32
        %dma_start3A_50 = tpu.memref_slice %arg13[%dma_start3A_48, %dma_start3A_49] : memref<10240x128xf32, #tpu.memory_space<vmem_shared>> -> memref<10240x128xf32, #tpu.memory_space<vmem_shared>>
        tpu.enqueue_indirect_dma source(%arg11 : memref<128x128xf32, #tpu.memory_space<vmem>>) target(%dma_start3A_50 : memref<10240x128xf32, #tpu.memory_space<vmem_shared>>) offsets(%arg9 : memref<128xi32, #tpu.memory_space<vmem>>) semaphore(%run_scoped3A : memref<!tpu.dma_semaphore, #tpu.memory_space<semaphore_mem>>) {add = true}
        %dma_wait3A_51 = arith.constant 0 : i32
        %dma_wait3A_52 = arith.constant 0 : i32
        %dma_wait3A_53 = tpu.memref_slice %arg13[%dma_wait3A_51, %dma_wait3A_52] : memref<10240x128xf32, #tpu.memory_space<vmem_shared>> -> memref<10240x128xf32, #tpu.memory_space<vmem_shared>>
        tpu.wait_indirect_dma semaphore(%run_scoped3A : memref<!tpu.dma_semaphore, #tpu.memory_space<semaphore_mem>>) src(%arg11 : memref<128x128xf32, #tpu.memory_space<vmem>>) dst(%dma_wait3A_53 : memref<10240x128xf32, #tpu.memory_space<vmem_shared>>)
        tpu.yield
      }) : () -> ()
      %add3A_30 = arith.constant 2 : i32
      %add3A_31 = arith.addi %add3A_26, %add3A_30 : i32
      %lt3A = arith.constant 79 : i32
      %lt3A_32 = arith.cmpi slt, %add3A_31, %lt3A : i32
      %convert_element_type3A = arith.extui %lt3A_32 : i1 to i32
      %cond3A = arith.constant 0 : i32
      %cond3A_33 = arith.cmpi ne, %convert_element_type3A, %cond3A : i32
      scf.if %cond3A_33 {
        %add3A_48 = arith.constant 2 : i32
        %add3A_49 = arith.addi %add3A_26, %add3A_48 : i32
        %mul3A_50 = arith.constant 128 : i32
        %mul3A_51 = arith.muli %add3A_49, %mul3A_50 : i32
        %add3A_52 = arith.addi %mul3A_4, %mul3A_51 : i32
        "tpu.region"() ({
          %run_scoped3A = tpu.sem_alloc : memref<!tpu.dma_semaphore, #tpu.memory_space<semaphore_mem>>
          %dma_start3A_56 = tpu.memref_slice %arg3[%add3A_52] : memref<323584xi32, #tpu.memory_space<hbm>> -> memref<128xi32, #tpu.memory_space<hbm>>
          %dma_start3A_57 = tpu.memref_slice %arg3[%add3A_52] : memref<323584xi32, #tpu.memory_space<hbm>> -> memref<128xi32, #tpu.memory_space<hbm>>
          tpu.enqueue_dma source(%dma_start3A_57 : memref<128xi32, #tpu.memory_space<hbm>>) target(%arg7 : memref<128xi32, #tpu.memory_space<vmem>>) target_semaphore(%run_scoped3A : memref<!tpu.dma_semaphore, #tpu.memory_space<semaphore_mem>>)
          %dma_wait3A_58 = tpu.memref_slice %arg3[%add3A_52] : memref<323584xi32, #tpu.memory_space<hbm>> -> memref<128xi32, #tpu.memory_space<hbm>>
          %dma_wait3A_59 = tpu.memref_slice %arg3[%add3A_52] : memref<323584xi32, #tpu.memory_space<hbm>> -> memref<128xi32, #tpu.memory_space<hbm>>
          tpu.wait_dma2 semaphore(%run_scoped3A : memref<!tpu.dma_semaphore, #tpu.memory_space<semaphore_mem>>) src(%dma_wait3A_59 : memref<128xi32, #tpu.memory_space<hbm>>) dst(%arg7 : memref<128xi32, #tpu.memory_space<vmem>>)
          tpu.yield
        }) : () -> ()
        "tpu.region"() ({
          %run_scoped3A = tpu.sem_alloc : memref<!tpu.dma_semaphore, #tpu.memory_space<semaphore_mem>>
          %dma_start3A_56 = tpu.memref_slice %arg4[%add3A_52] : memref<323584xi32, #tpu.memory_space<hbm>> -> memref<128xi32, #tpu.memory_space<hbm>>
          %dma_start3A_57 = tpu.memref_slice %arg4[%add3A_52] : memref<323584xi32, #tpu.memory_space<hbm>> -> memref<128xi32, #tpu.memory_space<hbm>>
          tpu.enqueue_dma source(%dma_start3A_57 : memref<128xi32, #tpu.memory_space<hbm>>) target(%arg9 : memref<128xi32, #tpu.memory_space<vmem>>) target_semaphore(%run_scoped3A : memref<!tpu.dma_semaphore, #tpu.memory_space<semaphore_mem>>)
          %dma_wait3A_58 = tpu.memref_slice %arg4[%add3A_52] : memref<323584xi32, #tpu.memory_space<hbm>> -> memref<128xi32, #tpu.memory_space<hbm>>
          %dma_wait3A_59 = tpu.memref_slice %arg4[%add3A_52] : memref<323584xi32, #tpu.memory_space<hbm>> -> memref<128xi32, #tpu.memory_space<hbm>>
          tpu.wait_dma2 semaphore(%run_scoped3A : memref<!tpu.dma_semaphore, #tpu.memory_space<semaphore_mem>>) src(%dma_wait3A_59 : memref<128xi32, #tpu.memory_space<hbm>>) dst(%arg9 : memref<128xi32, #tpu.memory_space<vmem>>)
          tpu.yield
        }) : () -> ()
        %dma_start3A_53 = arith.constant 0 : i32
        %dma_start3A_54 = arith.constant 0 : i32
        %dma_start3A_55 = tpu.memref_slice %arg2[%dma_start3A_53, %dma_start3A_54] : memref<10240x128xf32, #tpu.memory_space<hbm>> -> memref<10240x128xf32, #tpu.memory_space<hbm>>
        tpu.enqueue_indirect_dma source(%dma_start3A_55 : memref<10240x128xf32, #tpu.memory_space<hbm>>) target(%arg11 : memref<128x128xf32, #tpu.memory_space<vmem>>) offsets(%arg7 : memref<128xi32, #tpu.memory_space<vmem>>) semaphore(%arg14 : memref<!tpu.dma_semaphore, #tpu.memory_space<semaphore_mem>>)
      } else {
      }
      %mul3A_34 = arith.constant 2 : i32
      %mul3A_35 = arith.muli %mul3A_34, %scan3A_22 : i32
      %add3A_36 = arith.constant 1 : i32
      %add3A_37 = arith.addi %mul3A_35, %add3A_36 : i32
      %dma_wait3A_38 = arith.constant 0 : i32
      %dma_wait3A_39 = arith.constant 0 : i32
      %dma_wait3A_40 = tpu.memref_slice %arg2[%dma_wait3A_38, %dma_wait3A_39] : memref<10240x128xf32, #tpu.memory_space<hbm>> -> memref<10240x128xf32, #tpu.memory_space<hbm>>
      tpu.wait_indirect_dma semaphore(%arg15 : memref<!tpu.dma_semaphore, #tpu.memory_space<semaphore_mem>>) src(%dma_wait3A_40 : memref<10240x128xf32, #tpu.memory_space<hbm>>) dst(%arg12 : memref<128x128xf32, #tpu.memory_space<vmem>>)
      "tpu.region"() ({
        %run_scoped3A = tpu.sem_alloc : memref<!tpu.dma_semaphore, #tpu.memory_space<semaphore_mem>>
        %dma_start3A_48 = arith.constant 0 : i32
        %dma_start3A_49 = arith.constant 0 : i32
        %dma_start3A_50 = tpu.memref_slice %arg13[%dma_start3A_48, %dma_start3A_49] : memref<10240x128xf32, #tpu.memory_space<vmem_shared>> -> memref<10240x128xf32, #tpu.memory_space<vmem_shared>>
        tpu.enqueue_indirect_dma source(%arg12 : memref<128x128xf32, #tpu.memory_space<vmem>>) target(%dma_start3A_50 : memref<10240x128xf32, #tpu.memory_space<vmem_shared>>) offsets(%arg10 : memref<128xi32, #tpu.memory_space<vmem>>) semaphore(%run_scoped3A : memref<!tpu.dma_semaphore, #tpu.memory_space<semaphore_mem>>) {add = true}
        %dma_wait3A_51 = arith.constant 0 : i32
        %dma_wait3A_52 = arith.constant 0 : i32
        %dma_wait3A_53 = tpu.memref_slice %arg13[%dma_wait3A_51, %dma_wait3A_52] : memref<10240x128xf32, #tpu.memory_space<vmem_shared>> -> memref<10240x128xf32, #tpu.memory_space<vmem_shared>>
        tpu.wait_indirect_dma semaphore(%run_scoped3A : memref<!tpu.dma_semaphore, #tpu.memory_space<semaphore_mem>>) src(%arg12 : memref<128x128xf32, #tpu.memory_space<vmem>>) dst(%dma_wait3A_53 : memref<10240x128xf32, #tpu.memory_space<vmem_shared>>)
        tpu.yield
      }) : () -> ()
      %add3A_41 = arith.constant 2 : i32
      %add3A_42 = arith.addi %add3A_37, %add3A_41 : i32
      %lt3A_43 = arith.constant 79 : i32
      %lt3A_44 = arith.cmpi slt, %add3A_42, %lt3A_43 : i32
      %convert_element_type3A_45 = arith.extui %lt3A_44 : i1 to i32
      %cond3A_46 = arith.constant 0 : i32
      %cond3A_47 = arith.cmpi ne, %convert_element_type3A_45, %cond3A_46 : i32
      scf.if %cond3A_47 {
        %add3A_48 = arith.constant 2 : i32
        %add3A_49 = arith.addi %add3A_37, %add3A_48 : i32
        %mul3A_50 = arith.constant 128 : i32
        %mul3A_51 = arith.muli %add3A_49, %mul3A_50 : i32
        %add3A_52 = arith.addi %mul3A_4, %mul3A_51 : i32
        "tpu.region"() ({
          %run_scoped3A = tpu.sem_alloc : memref<!tpu.dma_semaphore, #tpu.memory_space<semaphore_mem>>
          %dma_start3A_56 = tpu.memref_slice %arg3[%add3A_52] : memref<323584xi32, #tpu.memory_space<hbm>> -> memref<128xi32, #tpu.memory_space<hbm>>
          %dma_start3A_57 = tpu.memref_slice %arg3[%add3A_52] : memref<323584xi32, #tpu.memory_space<hbm>> -> memref<128xi32, #tpu.memory_space<hbm>>
          tpu.enqueue_dma source(%dma_start3A_57 : memref<128xi32, #tpu.memory_space<hbm>>) target(%arg8 : memref<128xi32, #tpu.memory_space<vmem>>) target_semaphore(%run_scoped3A : memref<!tpu.dma_semaphore, #tpu.memory_space<semaphore_mem>>)
          %dma_wait3A_58 = tpu.memref_slice %arg3[%add3A_52] : memref<323584xi32, #tpu.memory_space<hbm>> -> memref<128xi32, #tpu.memory_space<hbm>>
          %dma_wait3A_59 = tpu.memref_slice %arg3[%add3A_52] : memref<323584xi32, #tpu.memory_space<hbm>> -> memref<128xi32, #tpu.memory_space<hbm>>
          tpu.wait_dma2 semaphore(%run_scoped3A : memref<!tpu.dma_semaphore, #tpu.memory_space<semaphore_mem>>) src(%dma_wait3A_59 : memref<128xi32, #tpu.memory_space<hbm>>) dst(%arg8 : memref<128xi32, #tpu.memory_space<vmem>>)
          tpu.yield
        }) : () -> ()
        "tpu.region"() ({
          %run_scoped3A = tpu.sem_alloc : memref<!tpu.dma_semaphore, #tpu.memory_space<semaphore_mem>>
          %dma_start3A_56 = tpu.memref_slice %arg4[%add3A_52] : memref<323584xi32, #tpu.memory_space<hbm>> -> memref<128xi32, #tpu.memory_space<hbm>>
          %dma_start3A_57 = tpu.memref_slice %arg4[%add3A_52] : memref<323584xi32, #tpu.memory_space<hbm>> -> memref<128xi32, #tpu.memory_space<hbm>>
          tpu.enqueue_dma source(%dma_start3A_57 : memref<128xi32, #tpu.memory_space<hbm>>) target(%arg10 : memref<128xi32, #tpu.memory_space<vmem>>) target_semaphore(%run_scoped3A : memref<!tpu.dma_semaphore, #tpu.memory_space<semaphore_mem>>)
          %dma_wait3A_58 = tpu.memref_slice %arg4[%add3A_52] : memref<323584xi32, #tpu.memory_space<hbm>> -> memref<128xi32, #tpu.memory_space<hbm>>
          %dma_wait3A_59 = tpu.memref_slice %arg4[%add3A_52] : memref<323584xi32, #tpu.memory_space<hbm>> -> memref<128xi32, #tpu.memory_space<hbm>>
          tpu.wait_dma2 semaphore(%run_scoped3A : memref<!tpu.dma_semaphore, #tpu.memory_space<semaphore_mem>>) src(%dma_wait3A_59 : memref<128xi32, #tpu.memory_space<hbm>>) dst(%arg10 : memref<128xi32, #tpu.memory_space<vmem>>)
          tpu.yield
        }) : () -> ()
        %dma_start3A_53 = arith.constant 0 : i32
        %dma_start3A_54 = arith.constant 0 : i32
        %dma_start3A_55 = tpu.memref_slice %arg2[%dma_start3A_53, %dma_start3A_54] : memref<10240x128xf32, #tpu.memory_space<hbm>> -> memref<10240x128xf32, #tpu.memory_space<hbm>>
        tpu.enqueue_indirect_dma source(%dma_start3A_55 : memref<10240x128xf32, #tpu.memory_space<hbm>>) target(%arg12 : memref<128x128xf32, #tpu.memory_space<vmem>>) offsets(%arg8 : memref<128xi32, #tpu.memory_space<vmem>>) semaphore(%arg15 : memref<!tpu.dma_semaphore, #tpu.memory_space<semaphore_mem>>)
      } else {
      }
    }
    %scan3A_18 = arith.constant 39 : i32
    %dma_wait3A = arith.constant 0 : i32
    %dma_wait3A_19 = arith.constant 0 : i32
    %dma_wait3A_20 = tpu.memref_slice %arg2[%dma_wait3A, %dma_wait3A_19] : memref<10240x128xf32, #tpu.memory_space<hbm>> -> memref<10240x128xf32, #tpu.memory_space<hbm>>
    tpu.wait_indirect_dma semaphore(%arg14 : memref<!tpu.dma_semaphore, #tpu.memory_space<semaphore_mem>>) src(%dma_wait3A_20 : memref<10240x128xf32, #tpu.memory_space<hbm>>) dst(%arg11 : memref<128x128xf32, #tpu.memory_space<vmem>>)
    "tpu.region"() ({
      %run_scoped3A = tpu.sem_alloc : memref<!tpu.dma_semaphore, #tpu.memory_space<semaphore_mem>>
      %dma_start3A_22 = arith.constant 0 : i32
      %dma_start3A_23 = arith.constant 0 : i32
      %dma_start3A_24 = tpu.memref_slice %arg13[%dma_start3A_22, %dma_start3A_23] : memref<10240x128xf32, #tpu.memory_space<vmem_shared>> -> memref<10240x128xf32, #tpu.memory_space<vmem_shared>>
      tpu.enqueue_indirect_dma source(%arg11 : memref<128x128xf32, #tpu.memory_space<vmem>>) target(%dma_start3A_24 : memref<10240x128xf32, #tpu.memory_space<vmem_shared>>) offsets(%arg9 : memref<128xi32, #tpu.memory_space<vmem>>) semaphore(%run_scoped3A : memref<!tpu.dma_semaphore, #tpu.memory_space<semaphore_mem>>) {add = true}
      %dma_wait3A_25 = arith.constant 0 : i32
      %dma_wait3A_26 = arith.constant 0 : i32
      %dma_wait3A_27 = tpu.memref_slice %arg13[%dma_wait3A_25, %dma_wait3A_26] : memref<10240x128xf32, #tpu.memory_space<vmem_shared>> -> memref<10240x128xf32, #tpu.memory_space<vmem_shared>>
      tpu.wait_indirect_dma semaphore(%run_scoped3A : memref<!tpu.dma_semaphore, #tpu.memory_space<semaphore_mem>>) src(%arg11 : memref<128x128xf32, #tpu.memory_space<vmem>>) dst(%dma_wait3A_27 : memref<10240x128xf32, #tpu.memory_space<vmem_shared>>)
      tpu.yield
    }) : () -> ()
    %barrier3A_21 = arith.constant 0 : index
    tpu.barrier barrier_id(%barrier3A_21)
    "tpu.region"() ({
      %run_scoped3A = tpu.sem_alloc : memref<!tpu.dma_semaphore, #tpu.memory_space<semaphore_mem>>
      %dma_start3A_22 = arith.constant 0 : i32
      %dma_start3A_23 = tpu.memref_slice %arg6[%arg0, %mul3A_0, %dma_start3A_22] : memref<2x10240x128xf32, #tpu.memory_space<hbm>> -> memref<1x640x128xf32, #tpu.memory_space<hbm>>
      %dma_start3A_24 = tpu.memref_squeeze %dma_start3A_23 : memref<1x640x128xf32, #tpu.memory_space<hbm>> -> memref<640x128xf32, #tpu.memory_space<hbm>>
      %dma_start3A_25 = arith.constant 0 : i32
      %dma_start3A_26 = tpu.memref_slice %arg13[%mul3A_0, %dma_start3A_25] : memref<10240x128xf32, #tpu.memory_space<vmem_shared>> -> memref<640x128xf32, #tpu.memory_space<vmem_shared>>
      tpu.enqueue_dma source(%dma_start3A_26 : memref<640x128xf32, #tpu.memory_space<vmem_shared>>) target(%dma_start3A_24 : memref<640x128xf32, #tpu.memory_space<hbm>>) target_semaphore(%run_scoped3A : memref<!tpu.dma_semaphore, #tpu.memory_space<semaphore_mem>>)
      %dma_wait3A_27 = arith.constant 0 : i32
      %dma_wait3A_28 = tpu.memref_slice %arg6[%arg0, %mul3A_0, %dma_wait3A_27] : memref<2x10240x128xf32, #tpu.memory_space<hbm>> -> memref<1x640x128xf32, #tpu.memory_space<hbm>>
      %dma_wait3A_29 = tpu.memref_squeeze %dma_wait3A_28 : memref<1x640x128xf32, #tpu.memory_space<hbm>> -> memref<640x128xf32, #tpu.memory_space<hbm>>
      %dma_wait3A_30 = arith.constant 0 : i32
      %dma_wait3A_31 = tpu.memref_slice %arg13[%mul3A_0, %dma_wait3A_30] : memref<10240x128xf32, #tpu.memory_space<vmem_shared>> -> memref<640x128xf32, #tpu.memory_space<vmem_shared>>
      tpu.wait_dma2 semaphore(%run_scoped3A : memref<!tpu.dma_semaphore, #tpu.memory_space<semaphore_mem>>) src(%dma_wait3A_31 : memref<640x128xf32, #tpu.memory_space<vmem_shared>>) dst(%dma_wait3A_29 : memref<640x128xf32, #tpu.memory_space<hbm>>)
      tpu.yield
    }) : () -> ()
    return
  }
}

module attributes {stable_mosaic.version = 14 : i64} {
  func.func @body(%arg0: i32, %arg1: memref<512x128xf32, #tpu.memory_space<vmem>>, %arg2: memref<128x128xf32, #tpu.memory_space<vmem>>, %arg3: memref<2x512x128xf32, #tpu.memory_space<vmem>>, %arg4: memref<512x128xf32, #tpu.memory_space<vmem>>) attributes {dimension_semantics = [#tpu.dimension_semantics<arbitrary>], iteration_bounds = array<i64: 20>, scalar_prefetch = 0 : i64, scratch_operands = 0 : i64, tpu.core_type = #tpu.core_type<tc>, window_params = [{transform_indices = @transform_0, window_bounds = array<i64: 512, 128>}, {pipeline_mode = #tpu.pipeline_mode<synchronous>, transform_indices = @transform_1, window_bounds = array<i64: 128, 128>}, {transform_indices = @transform_2, window_bounds = array<i64: 2, 512, 128>}, {transform_indices = @transform_3, window_bounds = array<i64: 512, 128>}]} {
    %get3A = arith.constant 0 : index
    %get3A_0 = arith.constant 0 : index
    %get3A_1 = arith.constant 0 : index
    %get3A_2 = vector.load %arg3[%get3A, %get3A_0, %get3A_1] : memref<2x512x128xf32, #tpu.memory_space<vmem>>, vector<1x512x1xf32>
    %get3A_3 = vector.shape_cast %get3A_2 : vector<1x512x1xf32> to vector<512x1xf32>
    %get3A_4 = arith.constant 1 : index
    %get3A_5 = arith.constant 0 : index
    %get3A_6 = arith.constant 0 : index
    %get3A_7 = vector.load %arg3[%get3A_4, %get3A_5, %get3A_6] : memref<2x512x128xf32, #tpu.memory_space<vmem>>, vector<1x512x1xf32>
    %get3A_8 = vector.shape_cast %get3A_7 : vector<1x512x1xf32> to vector<512x1xf32>
    %add3A = arith.addf %get3A_3, %get3A_8 : vector<512x1xf32>
    %add3A_9 = arith.constant 1.000000e+00 : f32
    %add3A_10 = vector.broadcast %add3A_9 : f32 to vector<512x1xf32>
    %add3A_11 = arith.addf %add3A, %add3A_10 : vector<512x1xf32>
    %rsqrt3A = math.rsqrt %add3A_11 : vector<512x1xf32>
    %get3A_12 = arith.constant 0 : index
    %get3A_13 = arith.constant 0 : index
    %get3A_14 = vector.load %arg1[%get3A_12, %get3A_13] : memref<512x128xf32, #tpu.memory_space<vmem>>, vector<512x128xf32>
    %get3A_15 = arith.constant 0 : index
    %get3A_16 = arith.constant 0 : index
    %get3A_17 = vector.load %arg2[%get3A_15, %get3A_16] : memref<128x128xf32, #tpu.memory_space<vmem>>, vector<128x128xf32>
    %dot_general3A = arith.constant dense<0.000000e+00> : vector<512x128xf32>
    %dot_general3A_18 = tpu.matmul %get3A_14, %get3A_17, %dot_general3A {dimension_numbers = #tpu.dot_dimension_numbers<[1], [0], [0], [1], [0, 0, 1, 1], [], []>, transpose_lhs_hint = false} : vector<512x128xf32>, vector<128x128xf32>, vector<512x128xf32> -> vector<512x128xf32>
    %mul3A = vector.broadcast %rsqrt3A : vector<512x1xf32> to vector<512x128xf32>
    %mul3A_19 = arith.mulf %dot_general3A_18, %mul3A : vector<512x128xf32>
    %swap3A = arith.constant 0 : index
    %swap3A_20 = arith.constant 0 : index
    %swap3A_21 = vector.load %arg4[%swap3A, %swap3A_20] : memref<512x128xf32, #tpu.memory_space<vmem>>, vector<512x128xf32>
    tpu.vector_store %arg4[%swap3A, %swap3A_20], %mul3A_19 {strides = array<i32>} : memref<512x128xf32, #tpu.memory_space<vmem>>, vector<512x128xf32>,
    return
  }
  func.func @transform_0(%arg0: i32) -> (i32, i32) {
    %c0_i32 = arith.constant 0 : i32
    %c0_i32_0 = arith.constant 0 : i32
    return %arg0, %c0_i32 : i32, i32
  }
  func.func @transform_1(%arg0: i32) -> (i32, i32) {
    %c0_i32 = arith.constant 0 : i32
    %c0_i32_0 = arith.constant 0 : i32
    %c0_i32_1 = arith.constant 0 : i32
    return %c0_i32, %c0_i32_0 : i32, i32
  }
  func.func @transform_2(%arg0: i32) -> (i32, i32, i32) {
    %c0_i32 = arith.constant 0 : i32
    %c0_i32_0 = arith.constant 0 : i32
    %c0_i32_1 = arith.constant 0 : i32
    return %c0_i32, %arg0, %c0_i32_0 : i32, i32, i32
  }
  func.func @transform_3(%arg0: i32) -> (i32, i32) {
    %c0_i32 = arith.constant 0 : i32
    %c0_i32_0 = arith.constant 0 : i32
    return %arg0, %c0_i32 : i32, i32
  }
}

module attributes {stable_mosaic.version = 14 : i64} {
  func.func @body(%arg0: i32, %arg1: memref<2x512x128xf32, #tpu.memory_space<vmem>>, %arg2: memref<2x512x128xf32, #tpu.memory_space<vmem>>, %arg3: memref<1x128xf32, #tpu.memory_space<vmem>>, %arg4: memref<128x128xf32, #tpu.memory_space<vmem>>, %arg5: memref<512x128xf32, #tpu.memory_space<vmem>>) attributes {dimension_semantics = [#tpu.dimension_semantics<arbitrary>], iteration_bounds = array<i64: 20>, scalar_prefetch = 0 : i64, scratch_operands = 0 : i64, tpu.core_type = #tpu.core_type<tc>, window_params = [{transform_indices = @transform_0, window_bounds = array<i64: 2, 512, 128>}, {transform_indices = @transform_1, window_bounds = array<i64: 2, 512, 128>}, {pipeline_mode = #tpu.pipeline_mode<synchronous>, transform_indices = @transform_2, window_bounds = array<i64: 1, 128>}, {pipeline_mode = #tpu.pipeline_mode<synchronous>, transform_indices = @transform_3, window_bounds = array<i64: 128, 128>}, {transform_indices = @transform_4, window_bounds = array<i64: 512, 128>}]} {
    %get3A = arith.constant 0 : index
    %get3A_0 = arith.constant 0 : index
    %get3A_1 = arith.constant 0 : index
    %get3A_2 = vector.load %arg2[%get3A, %get3A_0, %get3A_1] : memref<2x512x128xf32, #tpu.memory_space<vmem>>, vector<1x512x1xf32>
    %get3A_3 = vector.shape_cast %get3A_2 : vector<1x512x1xf32> to vector<512x1xf32>
    %get3A_4 = arith.constant 1 : index
    %get3A_5 = arith.constant 0 : index
    %get3A_6 = arith.constant 0 : index
    %get3A_7 = vector.load %arg2[%get3A_4, %get3A_5, %get3A_6] : memref<2x512x128xf32, #tpu.memory_space<vmem>>, vector<1x512x1xf32>
    %get3A_8 = vector.shape_cast %get3A_7 : vector<1x512x1xf32> to vector<512x1xf32>
    %add3A = arith.addf %get3A_3, %get3A_8 : vector<512x1xf32>
    %add3A_9 = arith.constant 1.000000e+00 : f32
    %add3A_10 = vector.broadcast %add3A_9 : f32 to vector<512x1xf32>
    %add3A_11 = arith.addf %add3A, %add3A_10 : vector<512x1xf32>
    %rsqrt3A = math.rsqrt %add3A_11 : vector<512x1xf32>
    %get3A_12 = arith.constant 0 : index
    %get3A_13 = arith.constant 0 : index
    %get3A_14 = arith.constant 0 : index
    %get3A_15 = vector.load %arg1[%get3A_12, %get3A_13, %get3A_14] : memref<2x512x128xf32, #tpu.memory_space<vmem>>, vector<1x512x128xf32>
    %get3A_16 = vector.shape_cast %get3A_15 : vector<1x512x128xf32> to vector<512x128xf32>
    %get3A_17 = arith.constant 1 : index
    %get3A_18 = arith.constant 0 : index
    %get3A_19 = arith.constant 0 : index
    %get3A_20 = vector.load %arg1[%get3A_17, %get3A_18, %get3A_19] : memref<2x512x128xf32, #tpu.memory_space<vmem>>, vector<1x512x128xf32>
    %get3A_21 = vector.shape_cast %get3A_20 : vector<1x512x128xf32> to vector<512x128xf32>
    %add3A_22 = arith.addf %get3A_16, %get3A_21 : vector<512x128xf32>
    %mul3A = vector.broadcast %rsqrt3A : vector<512x1xf32> to vector<512x128xf32>
    %mul3A_23 = arith.mulf %add3A_22, %mul3A : vector<512x128xf32>
    %get3A_24 = arith.constant 0 : index
    %get3A_25 = arith.constant 0 : index
    %get3A_26 = vector.load %arg3[%get3A_24, %get3A_25] : memref<1x128xf32, #tpu.memory_space<vmem>>, vector<1x128xf32>
    %add3A_27 = vector.broadcast %get3A_26 : vector<1x128xf32> to vector<512x128xf32>
    %add3A_28 = arith.addf %mul3A_23, %add3A_27 : vector<512x128xf32>
    %max3A = arith.constant 0.000000e+00 : f32
    %max3A_29 = vector.broadcast %max3A : f32 to vector<512x128xf32>
    %max3A_30 = arith.maximumf %add3A_28, %max3A_29 : vector<512x128xf32>
    %get3A_31 = arith.constant 0 : index
    %get3A_32 = arith.constant 0 : index
    %get3A_33 = vector.load %arg4[%get3A_31, %get3A_32] : memref<128x128xf32, #tpu.memory_space<vmem>>, vector<128x128xf32>
    %dot_general3A = arith.constant dense<0.000000e+00> : vector<512x128xf32>
    %dot_general3A_34 = tpu.matmul %max3A_30, %get3A_33, %dot_general3A {dimension_numbers = #tpu.dot_dimension_numbers<[1], [0], [0], [1], [0, 0, 1, 1], [], []>, transpose_lhs_hint = false} : vector<512x128xf32>, vector<128x128xf32>, vector<512x128xf32> -> vector<512x128xf32>
    %mul3A_35 = vector.broadcast %rsqrt3A : vector<512x1xf32> to vector<512x128xf32>
    %mul3A_36 = arith.mulf %dot_general3A_34, %mul3A_35 : vector<512x128xf32>
    %swap3A = arith.constant 0 : index
    %swap3A_37 = arith.constant 0 : index
    %swap3A_38 = vector.load %arg5[%swap3A, %swap3A_37] : memref<512x128xf32, #tpu.memory_space<vmem>>, vector<512x128xf32>
    tpu.vector_store %arg5[%swap3A, %swap3A_37], %mul3A_36 {strides = array<i32>} : memref<512x128xf32, #tpu.memory_space<vmem>>, vector<512x128xf32>,
    return
  }
  func.func @transform_0(%arg0: i32) -> (i32, i32, i32) {
    %c0_i32 = arith.constant 0 : i32
    %c0_i32_0 = arith.constant 0 : i32
    %c0_i32_1 = arith.constant 0 : i32
    return %c0_i32, %arg0, %c0_i32_0 : i32, i32, i32
  }
  func.func @transform_1(%arg0: i32) -> (i32, i32, i32) {
    %c0_i32 = arith.constant 0 : i32
    %c0_i32_0 = arith.constant 0 : i32
    %c0_i32_1 = arith.constant 0 : i32
    return %c0_i32, %arg0, %c0_i32_0 : i32, i32, i32
  }
  func.func @transform_2(%arg0: i32) -> (i32, i32) {
    %c0_i32 = arith.constant 0 : i32
    %c0_i32_0 = arith.constant 0 : i32
    %c0_i32_1 = arith.constant 0 : i32
    return %c0_i32, %c0_i32_0 : i32, i32
  }
  func.func @transform_3(%arg0: i32) -> (i32, i32) {
    %c0_i32 = arith.constant 0 : i32
    %c0_i32_0 = arith.constant 0 : i32
    %c0_i32_1 = arith.constant 0 : i32
    return %c0_i32, %c0_i32_0 : i32, i32
  }
  func.func @transform_4(%arg0: i32) -> (i32, i32) {
    %c0_i32 = arith.constant 0 : i32
    %c0_i32_0 = arith.constant 0 : i32
    return %arg0, %c0_i32 : i32, i32
  }
}

module attributes {stable_mosaic.version = 14 : i64} {
  func.func @body(%arg0: i32, %arg1: memref<2x512x128xf32, #tpu.memory_space<vmem>>, %arg2: memref<2x512x128xf32, #tpu.memory_space<vmem>>, %arg3: memref<1x128xf32, #tpu.memory_space<vmem>>, %arg4: memref<1024x128xf32, #tpu.memory_space<vmem>>, %arg5: memref<1x1024xf32, #tpu.memory_space<vmem>>, %arg6: memref<512x256xbf16, #tpu.memory_space<vmem>>) attributes {dimension_semantics = [#tpu.dimension_semantics<arbitrary>], iteration_bounds = array<i64: 20>, scalar_prefetch = 0 : i64, scratch_operands = 0 : i64, tpu.core_type = #tpu.core_type<tc>, window_params = [{transform_indices = @transform_0, window_bounds = array<i64: 2, 512, 128>}, {transform_indices = @transform_1, window_bounds = array<i64: 2, 512, 128>}, {pipeline_mode = #tpu.pipeline_mode<synchronous>, transform_indices = @transform_2, window_bounds = array<i64: 1, 128>}, {pipeline_mode = #tpu.pipeline_mode<synchronous>, transform_indices = @transform_3, window_bounds = array<i64: 1024, 128>}, {pipeline_mode = #tpu.pipeline_mode<synchronous>, transform_indices = @transform_4, window_bounds = array<i64: 1, 1024>}, {transform_indices = @transform_5, window_bounds = array<i64: 512, 256>}]} {
    %get3A = arith.constant 0 : index
    %get3A_0 = arith.constant 0 : index
    %get3A_1 = arith.constant 0 : index
    %get3A_2 = vector.load %arg2[%get3A, %get3A_0, %get3A_1] : memref<2x512x128xf32, #tpu.memory_space<vmem>>, vector<1x512x1xf32>
    %get3A_3 = vector.shape_cast %get3A_2 : vector<1x512x1xf32> to vector<512x1xf32>
    %get3A_4 = arith.constant 1 : index
    %get3A_5 = arith.constant 0 : index
    %get3A_6 = arith.constant 0 : index
    %get3A_7 = vector.load %arg2[%get3A_4, %get3A_5, %get3A_6] : memref<2x512x128xf32, #tpu.memory_space<vmem>>, vector<1x512x1xf32>
    %get3A_8 = vector.shape_cast %get3A_7 : vector<1x512x1xf32> to vector<512x1xf32>
    %add3A = arith.addf %get3A_3, %get3A_8 : vector<512x1xf32>
    %add3A_9 = arith.constant 1.000000e+00 : f32
    %add3A_10 = vector.broadcast %add3A_9 : f32 to vector<512x1xf32>
    %add3A_11 = arith.addf %add3A, %add3A_10 : vector<512x1xf32>
    %rsqrt3A = math.rsqrt %add3A_11 : vector<512x1xf32>
    %get3A_12 = arith.constant 0 : index
    %get3A_13 = arith.constant 0 : index
    %get3A_14 = arith.constant 0 : index
    %get3A_15 = vector.load %arg1[%get3A_12, %get3A_13, %get3A_14] : memref<2x512x128xf32, #tpu.memory_space<vmem>>, vector<1x512x128xf32>
    %get3A_16 = vector.shape_cast %get3A_15 : vector<1x512x128xf32> to vector<512x128xf32>
    %get3A_17 = arith.constant 1 : index
    %get3A_18 = arith.constant 0 : index
    %get3A_19 = arith.constant 0 : index
    %get3A_20 = vector.load %arg1[%get3A_17, %get3A_18, %get3A_19] : memref<2x512x128xf32, #tpu.memory_space<vmem>>, vector<1x512x128xf32>
    %get3A_21 = vector.shape_cast %get3A_20 : vector<1x512x128xf32> to vector<512x128xf32>
    %add3A_22 = arith.addf %get3A_16, %get3A_21 : vector<512x128xf32>
    %mul3A = vector.broadcast %rsqrt3A : vector<512x1xf32> to vector<512x128xf32>
    %mul3A_23 = arith.mulf %add3A_22, %mul3A : vector<512x128xf32>
    %get3A_24 = arith.constant 0 : index
    %get3A_25 = arith.constant 0 : index
    %get3A_26 = vector.load %arg3[%get3A_24, %get3A_25] : memref<1x128xf32, #tpu.memory_space<vmem>>, vector<1x128xf32>
    %add3A_27 = vector.broadcast %get3A_26 : vector<1x128xf32> to vector<512x128xf32>
    %add3A_28 = arith.addf %mul3A_23, %add3A_27 : vector<512x128xf32>
    %get3A_29 = arith.constant 0 : index
    %get3A_30 = arith.constant 0 : index
    %get3A_31 = vector.load %arg4[%get3A_29, %get3A_30] : memref<1024x128xf32, #tpu.memory_space<vmem>>, vector<1024x128xf32>
    %dot_general3A = arith.constant dense<0.000000e+00> : vector<512x1024xf32>
    %dot_general3A_32 = tpu.matmul %add3A_28, %get3A_31, %dot_general3A {dimension_numbers = #tpu.dot_dimension_numbers<[1], [1], [0], [0], [0, 0, 1, 0], [], []>, transpose_lhs_hint = false} : vector<512x128xf32>, vector<1024x128xf32>, vector<512x1024xf32> -> vector<512x1024xf32>
    %get3A_33 = arith.constant 0 : index
    %get3A_34 = arith.constant 0 : index
    %get3A_35 = vector.load %arg5[%get3A_33, %get3A_34] : memref<1x1024xf32, #tpu.memory_space<vmem>>, vector<1x1024xf32>
    %add3A_36 = vector.broadcast %get3A_35 : vector<1x1024xf32> to vector<512x1024xf32>
    %add3A_37 = arith.addf %dot_general3A_32, %add3A_36 : vector<512x1024xf32>
    %slice3A = vector.extract_strided_slice %add3A_37 {offsets = [0, 0], sizes = [512, 256], strides = [1, 1]} : vector<512x1024xf32> to vector<512x256xf32>
    %logistic3A = arith.negf %slice3A : vector<512x256xf32>
    %logistic3A_38 = math.exp %logistic3A : vector<512x256xf32>
    %logistic3A_39 = arith.constant 1.000000e+00 : f32
    %logistic3A_40 = vector.broadcast %logistic3A_39 : f32 to vector<512x256xf32>
    %logistic3A_41 = arith.addf %logistic3A_40, %logistic3A_38 : vector<512x256xf32>
    %logistic3A_42 = arith.divf %logistic3A_40, %logistic3A_41 : vector<512x256xf32>
    %slice3A_43 = vector.extract_strided_slice %add3A_37 {offsets = [0, 512], sizes = [512, 256], strides = [1, 1]} : vector<512x1024xf32> to vector<512x256xf32>
    %tanh3A = math.tanh %slice3A_43 : vector<512x256xf32>
    %slice3A_44 = vector.extract_strided_slice %add3A_37 {offsets = [0, 768], sizes = [512, 256], strides = [1, 1]} : vector<512x1024xf32> to vector<512x256xf32>
    %logistic3A_45 = arith.negf %slice3A_44 : vector<512x256xf32>
    %logistic3A_46 = math.exp %logistic3A_45 : vector<512x256xf32>
    %logistic3A_47 = arith.constant 1.000000e+00 : f32
    %logistic3A_48 = vector.broadcast %logistic3A_47 : f32 to vector<512x256xf32>
    %logistic3A_49 = arith.addf %logistic3A_48, %logistic3A_46 : vector<512x256xf32>
    %logistic3A_50 = arith.divf %logistic3A_48, %logistic3A_49 : vector<512x256xf32>
    %mul3A_51 = arith.mulf %logistic3A_42, %tanh3A : vector<512x256xf32>
    %tanh3A_52 = math.tanh %mul3A_51 : vector<512x256xf32>
    %mul3A_53 = arith.mulf %logistic3A_50, %tanh3A_52 : vector<512x256xf32>
    %convert_element_type3A = arith.truncf %mul3A_53 : vector<512x256xf32> to vector<512x256xbf16>
    %swap3A = arith.constant 0 : index
    %swap3A_54 = arith.constant 0 : index
    %swap3A_55 = vector.load %arg6[%swap3A, %swap3A_54] : memref<512x256xbf16, #tpu.memory_space<vmem>>, vector<512x256xbf16>
    tpu.vector_store %arg6[%swap3A, %swap3A_54], %convert_element_type3A {strides = array<i32>} : memref<512x256xbf16, #tpu.memory_space<vmem>>, vector<512x256xbf16>,
    return
  }
  func.func @transform_0(%arg0: i32) -> (i32, i32, i32) {
    %c0_i32 = arith.constant 0 : i32
    %c0_i32_0 = arith.constant 0 : i32
    %c0_i32_1 = arith.constant 0 : i32
    return %c0_i32, %arg0, %c0_i32_0 : i32, i32, i32
  }
  func.func @transform_1(%arg0: i32) -> (i32, i32, i32) {
    %c0_i32 = arith.constant 0 : i32
    %c0_i32_0 = arith.constant 0 : i32
    %c0_i32_1 = arith.constant 0 : i32
    return %c0_i32, %arg0, %c0_i32_0 : i32, i32, i32
  }
  func.func @transform_2(%arg0: i32) -> (i32, i32) {
    %c0_i32 = arith.constant 0 : i32
    %c0_i32_0 = arith.constant 0 : i32
    %c0_i32_1 = arith.constant 0 : i32
    return %c0_i32, %c0_i32_0 : i32, i32
  }
  func.func @transform_3(%arg0: i32) -> (i32, i32) {
    %c0_i32 = arith.constant 0 : i32
    %c0_i32_0 = arith.constant 0 : i32
    %c0_i32_1 = arith.constant 0 : i32
    return %c0_i32, %c0_i32_0 : i32, i32
  }
  func.func @transform_4(%arg0: i32) -> (i32, i32) {
    %c0_i32 = arith.constant 0 : i32
    %c0_i32_0 = arith.constant 0 : i32
    %c0_i32_1 = arith.constant 0 : i32
    return %c0_i32, %c0_i32_0 : i32, i32
  }
  func.func @transform_5(%arg0: i32) -> (i32, i32) {
    %c0_i32 = arith.constant 0 : i32
    %c0_i32_0 = arith.constant 0 : i32
    return %arg0, %c0_i32 : i32, i32
  }
}

module attributes {stable_mosaic.version = 14 : i64} {
  func.func @body(%arg0: i32, %arg1: i32, %arg2: memref<512x256xbf16, #tpu.memory_space<vmem>>, %arg3: memref<1024x256xbf16, #tpu.memory_space<vmem>>, %arg4: memref<1x1024xf32, #tpu.memory_space<vmem>>, %arg5: memref<512x1024xf32, #tpu.memory_space<vmem>>) attributes {dimension_semantics = [#tpu.dimension_semantics<arbitrary>, #tpu.dimension_semantics<arbitrary>], iteration_bounds = array<i64: 10, 20>, scalar_prefetch = 0 : i64, scratch_operands = 0 : i64, tpu.core_type = #tpu.core_type<tc>, window_params = [{transform_indices = @transform_0, window_bounds = array<i64: 512, 256>}, {transform_indices = @transform_1, window_bounds = array<i64: 1024, 256>}, {transform_indices = @transform_2, window_bounds = array<i64: 1, 1024>}, {transform_indices = @transform_3, window_bounds = array<i64: 512, 1024>}]} {
    %get3A = arith.constant 0 : index
    %get3A_0 = arith.constant 0 : index
    %get3A_1 = vector.load %arg2[%get3A, %get3A_0] : memref<512x256xbf16, #tpu.memory_space<vmem>>, vector<512x256xbf16>
    %get3A_2 = arith.constant 0 : index
    %get3A_3 = arith.constant 0 : index
    %get3A_4 = vector.load %arg3[%get3A_2, %get3A_3] : memref<1024x256xbf16, #tpu.memory_space<vmem>>, vector<1024x256xbf16>
    %dot_general3A = arith.constant dense<0.000000e+00> : vector<512x1024xf32>
    %dot_general3A_5 = tpu.matmul %get3A_1, %get3A_4, %dot_general3A {dimension_numbers = #tpu.dot_dimension_numbers<[1], [1], [0], [0], [0, 0, 1, 0], [], []>, transpose_lhs_hint = false} : vector<512x256xbf16>, vector<1024x256xbf16>, vector<512x1024xf32> -> vector<512x1024xf32>
    %get3A_6 = arith.constant 0 : index
    %get3A_7 = arith.constant 0 : index
    %get3A_8 = vector.load %arg4[%get3A_6, %get3A_7] : memref<1x1024xf32, #tpu.memory_space<vmem>>, vector<1x1024xf32>
    %add3A = vector.broadcast %get3A_8 : vector<1x1024xf32> to vector<512x1024xf32>
    %add3A_9 = arith.addf %dot_general3A_5, %add3A : vector<512x1024xf32>
    %swap3A = arith.constant 0 : index
    %swap3A_10 = arith.constant 0 : index
    %swap3A_11 = vector.load %arg5[%swap3A, %swap3A_10] : memref<512x1024xf32, #tpu.memory_space<vmem>>, vector<512x1024xf32>
    tpu.vector_store %arg5[%swap3A, %swap3A_10], %add3A_9 {strides = array<i32>} : memref<512x1024xf32, #tpu.memory_space<vmem>>, vector<512x1024xf32>,
    return
  }
  func.func @transform_0(%arg0: i32, %arg1: i32) -> (i32, i32) {
    %c0_i32 = arith.constant 0 : i32
    %c0_i32_0 = arith.constant 0 : i32
    return %arg1, %c0_i32 : i32, i32
  }
  func.func @transform_1(%arg0: i32, %arg1: i32) -> (i32, i32) {
    %c0_i32 = arith.constant 0 : i32
    %c0_i32_0 = arith.constant 0 : i32
    return %arg0, %c0_i32 : i32, i32
  }
  func.func @transform_2(%arg0: i32, %arg1: i32) -> (i32, i32) {
    %c0_i32 = arith.constant 0 : i32
    %c0_i32_0 = arith.constant 0 : i32
    return %c0_i32, %arg0 : i32, i32
  }
  func.func @transform_3(%arg0: i32, %arg1: i32) -> (i32, i32) {
    %c0_i32 = arith.constant 0 : i32
    return %arg1, %arg0 : i32, i32
  }
}

</mosaic_0001>

<sc_bundles>
// kernel: kernel.12.cloned.1.call-start
scs
__scs_entry_jumppad:
0x0: {  	(pc) =	sbr.rel $0x88, $3  }
0x1: {  	(tag) =	ssettag $0x0;
	lr =	simm.s32 $0x1  }
0x2: {  	[smem:$0x3F96] =	sst lr;
	_ =	strace $0xD0000000  }
0x3: {  	_ = 	snop  }
0x4: {  	_ = 	snop  }
0x5: {  	_ = 	snop  }
0x6: {  	_ = 	snop  }
0x7: {  	_ = 	snop  }
__scs_overlays_trampoline_lowered:
0x8: {  	[smem:$0x3FA5] =	sst s0  }
0x9: {  	[smem:$0x3FA6] =	sst s1  }
0xa: {  	[smem:$0x3FA7] =	sst s2  }
0xb: {  	[smem:$0x3FA8] =	sst s3  }
0xc: {  	[smem:$0x3FA9] =	sst s4  }
0xd: {  	[smem:$0x3FAA] =	sst s5  }
0xe: {  	[smem:$0x3FAB] =	sst s6  }
0xf: {  	[smem:$0x3FAC] =	sst s7  }
0x10: {  	[smem:$0x3FAD] =	sst s8  }
0x11: {  	[smem:$0x3FAE] =	sst s9;
	s0 =	simm.s32 @!p0 $0x0  }
0x12: {  	s1 =	sld [smem:$0x3F94];
	s0 =	simm.s32 @p0 $0x1  }
0x13: {  	[smem:$0x3FAF] =	sst s0;
	s0 =	simm.s32 @!p1 $0x0  }
0x14: {  	s2 =	sld [smem:$0x3F93];
	s0 =	simm.s32 @p1 $0x1  }
0x15: {  	[smem:$0x3FB0] =	sst s0;
	s0 =	simm.s32 @!p2 $0x0  }
0x16: {  	s3 =	sld [smem:$0x3FDB];
	s0 =	simm.s32 @p2 $0x1  }
0x17: {  	s4 =	simm.s32 $0x1BF5;
	[smem:$0x3FB2] =	sst s0  }
0x18: {  	s0 =	sld [smem:$0x3F95];
	_ =	swait.ge [sflag:s4], $0x0  }
0x19: {  	s7 =	sld [smem:$0x3F96]  }
0x1a: {  	s8 =	sadd.s32 $0xFFFFE003, lr  }
0x1b: {  	s9 =	sadd.s32 $0xFFFFFEF7, lr;
	s5 =	simm.s32 $0xFFFFFFFF;
	p2 =	slt.u32 s8, $0xFFFFF086  }
0x1c: {  	p1 =	slt.u32 s9, $0xF7A;
	s5 =	simm.s32 @!p2 $0x0  }
0x1d: {  	s5 =	simm.s32 @p1 $0x1;
	p0 =	seq.s32 s7, s2  }
0x1e: {  	s7 =	smul.u32 @!p0 $0xF7A, s2;
	p2 =	seq.s32 @!p0 s5, $0x0  }
0x1f: {  	s9 =	smul.u32 $0xF7A, s1;
	s8 =	simm.s32 @!p0 $0x1BF5;
	p2 =	por !p2, p0  }
0x20: {  	[sflag:s8] =	ssyncset.s32 @!p0 $0xFFFFF086;
	s6 =	sadd.s32 @!p0 s3, s7;
	s7 =	simm.s32 @!p0 $0x108  }
0x21: {  	s3 =	sadd.s32 s3, s9;
	s6 =	sadd.s32 @!p0 $0x88, s6;
	s7 =	simm.s32 @p2 $0x1082  }
0x22: {  	[simem:s7], [sflag:s8] =	dma.local @!p0 [hbm:s6], $0xF7A  }
0x23: {  	s9 =	sor.u32 $0xD0000000, s2;
	s6 =	simm.s32 $0x108;
	_ =	swait.ge @!p0 [sflag:s8], $0x0  }
0x24: {  	s3 =	sadd.s32 $0x88, s3;
	s6 =	simm.s32 @!p1 $0x1082;
	[sflag:s4] =	ssyncset.s32 $0xFFFFF086  }
0x25: {  	[simem:s6], [sflag:s4] =	dma.local [hbm:s3], $0xF7A  }
0x26: {  	[smem:$0x3F96] =	sst s1;
	(tag) =	ssettag s2;
	_ =	strace s9  }
0x27: {  	s1 =	sld [smem:$0x3FA6]  }
0x28: {  	s2 =	sld [smem:$0x3FA7]  }
0x29: {  	s4 =	sld [smem:$0x3FA9]  }
0x2a: {  	p0 =	seq.s32 s5, $0x0;
	s5 =	sld [smem:$0x3FAA]  }
0x2b: {  	s6 =	sld [smem:$0x3FAB]  }
0x2c: {  	s7 =	sld [smem:$0x3FAC]  }
0x2d: {  	s3 =	simm.s32 $0x108;
	s8 =	sld [smem:$0x3FAD]  }
0x2e: {  	s3 =	simm.s32 @!p0 $0x1082;
	s9 =	sld [smem:$0x3FAE]  }
0x2f: {  	lr =	sadd.s32 s0, s3;
	s0 =	sld [smem:$0x3FA5]  }
0x30: {  	s3 =	sld [smem:$0x3FA8]  }
0x31: {  	[smem:$0x3FB1] =	sst s10  }
0x32: {  	s10 =	sld [smem:$0x3FAF];
	_ =	sdelay $0x3  }
0x33: {  	p0 =	seq.s32 s10, $0x1;
	s10 =	sld [smem:$0x3FB1];
	_ =	sdelay $0x3  }
0x34: {  	[smem:$0x3FB1] =	sst s10  }
0x35: {  	s10 =	sld [smem:$0x3FB0];
	_ =	sdelay $0x3  }
0x36: {  	p1 =	seq.s32 s10, $0x1;
	s10 =	sld [smem:$0x3FB1];
	_ =	sdelay $0x3  }
0x37: {  	[smem:$0x3FB1] =	sst s10  }
0x38: {  	s10 =	sld [smem:$0x3FB2]  }
0x39: {  	_ = 	snop;
	(pc) =	sbr.ind lr, $3  }
0x3a: {  	_ = 	snop  }
0x3b: {  	_ = 	snop  }
0x3c: {  	p2 =	seq.s32 s10, $0x1;
	s10 =	sld [smem:$0x3FB1]  }
0x3d: {  	_ =	shalt  }
0x3e: {  	_ =	shalt  }
0x3f: {  	_ =	shalt  }
0x40: {  	_ =	shalt  }
0x41: {  	_ =	shalt  }
0x42: {  	_ =	shalt  }
0x43: {  	_ =	shalt  }
0x44: {  	_ =	shalt  }
0x45: {  	_ =	shalt  }
0x46: {  	_ =	shalt  }
0x47: {  	_ =	shalt  }
0x48: {  	_ =	shalt  }
0x49: {  	_ =	shalt  }
0x4a: {  	_ =	shalt  }
0x4b: {  	_ =	shalt  }
0x4c: {  	_ =	shalt  }
0x4d: {  	_ =	shalt  }
0x4e: {  	_ =	shalt  }
0x4f: {  	_ =	shalt  }
0x50: {  	_ =	shalt  }
0x51: {  	_ =	shalt  }
0x52: {  	_ =	shalt  }
0x53: {  	_ =	shalt  }
0x54: {  	_ =	shalt  }
0x55: {  	_ =	shalt  }
0x56: {  	_ =	shalt  }
0x57: {  	_ =	shalt  }
0x58: {  	_ =	shalt  }
0x59: {  	_ =	shalt  }
0x5a: {  	_ =	shalt  }
0x5b: {  	_ =	shalt  }
0x5c: {  	_ =	shalt  }
0x5d: {  	_ =	shalt  }
0x5e: {  	_ =	shalt  }
0x5f: {  	_ =	shalt  }
0x60: {  	_ =	shalt  }
0x61: {  	_ =	shalt  }
0x62: {  	_ =	shalt  }
0x63: {  	_ =	shalt  }
0x64: {  	_ =	shalt  }
0x65: {  	_ =	shalt  }
0x66: {  	_ =	shalt  }
0x67: {  	_ =	shalt  }
0x68: {  	_ =	shalt  }
0x69: {  	_ =	shalt  }
0x6a: {  	_ =	shalt  }
0x6b: {  	_ =	shalt  }
0x6c: {  	_ =	shalt  }
0x6d: {  	_ =	shalt  }
0x6e: {  	_ =	shalt  }
0x6f: {  	_ =	shalt  }
0x70: {  	_ =	shalt  }
0x71: {  	_ =	shalt  }
0x72: {  	_ =	shalt  }
0x73: {  	_ =	shalt  }
0x74: {  	_ =	shalt  }
0x75: {  	_ =	shalt  }
0x76: {  	_ =	shalt  }
0x77: {  	_ =	shalt  }
0x78: {  	_ =	shalt  }
0x79: {  	_ =	shalt  }
0x7a: {  	_ =	shalt  }
0x7b: {  	_ =	shalt  }
0x7c: {  	_ =	shalt  }
0x7d: {  	_ =	shalt  }
0x7e: {  	_ =	shalt  }
0x7f: {  	_ =	shalt  }
0x80: {  	_ =	shalt  }
0x81: {  	_ =	shalt  }
0x82: {  	_ =	shalt  }
0x83: {  	_ =	shalt  }
0x84: {  	_ =	shalt  }
0x85: {  	_ =	shalt  }
0x86: {  	_ =	shalt  }
0x87: {  	_ =	shalt  }
.Lfunc_end0:
.L_simem_size_0:
called_computation.1_lowered:
.L_overlay_start_0:
0x88: {  	s2 =	sld [smem:$0x3FD9]  }
0x89: {  	s3 =	sld [smem:$0x3FFE];
	_ =	sdelay $0x1  }
0x8a: {  	s1 =	srdreg.scid  }
0x8b: {  	s0 =	sand.u32 $0x1, s1  }
0x8c: {  	s17 =	sshll.u32 s0, $0xA;
	s2 =	sadd.s32 s3, s2  }
0x8d: {  	s2 =	sadd.s32 s2, s17  }
0x8e: {  	[smem:$0x3FBD] =	sst s2  }
0x8f: {  	_ = 	snop  }
0x90: {  	s2 =	sld [smem:$0x3FD0];
	(tm) =	ssettm $0x1  }
0x91: {  	s18 =	sld [smem:$0x3FFB];
	_ =	sdelay $0x3  }
0x92: {  	_ =	strace s18  }
0x93: {  	s3 =	sld [smem:$0x3FFC];
	_ =	sdelay $0x3  }
0x94: {  	_ =	strace s3  }
0x95: {  	s3 =	sld [smem:$0x3FFD];
	_ =	sdelay $0x3  }
0x96: {  	_ =	strace s3  }
0x97: {  	_ =	strace $0x8FFFFFFF  }
0x98: {  	s19 =	sld [smem:$0x3FDB];
	_ =	sdelay $0x1  }
0x99: {  	s4 =	simm.s32 $_scs_section_size  }
0x9a: {  	s5 =	simm.s32 $_size__tile_overlayer_lowered;
	s6 =	simm.s32 $_tile_overlayer_lowered  }
0x9b: {  	s22 =	simm.s32 $0x1BFF;
	s21 =	sshll.u32 s6, $0x1;
	s3 =	sadd.s32 s4, s19  }
0x9c: {  	s7 =	simm.s32 $0x0;
	s20 =	sshll.u32 s5, $0x1;
	s5 =	sadd.s32 s21, s3  }
0x9d: {  	[timem:s7], [sflag:s22] =	dma.local [hbm:s5], s20  }
0x9e: {  	_ =	swait.ge [sflag:s22], s20  }
0x9f: {  	s4 =	ssub.s32 $0x0, s20;
	[sflag:s22] =	ssyncset.done $0x0  }
0xa0: {  	[sflag:s22] =	ssyncadd.s32 s4;
	_ =	sdelay $0x1  }
0xa1: {  	s23 =	simm.s32 $0x1B8B  }
0xa2: {  	_ =	swait.ge [sflag:s23], $0x1  }
0xa3: {  	[sflag:s23] =	ssyncset.done $0x0  }
0xa4: {  	s25 =	simm.s32 $0x1B8E;
	s24 =	sld [smem:$0x3FFE];
	[sflag:s23] =	ssyncadd.s32 $0xFFFFFFFF  }
0xa5: {  	s26 =	simm.s32 $execute0_lowered;
	[smem:$0x3FD2] =	sst s25  }
0xa6: {  	s5 =	sshll.u32 s26, $0x1;
	_ =	strace $0x80000049;
	[dreg:$0x1] =	wrdreg $0xFFFFFFFF  }
0xa7: {  	s28 =	simm.s32 $_size_execute0_lowered;
	s3 =	sadd.s32 s3, s5;
	[dreg:$0x0] =	wrdreg $0x0  }
0xa8: {  	s5 =	sshll.u32 s28, $0x1;
	[dreg:$0x2] =	wrdreg s3  }
0xa9: {  	[dreg:$0x3] =	wrdreg s5  }
0xaa: {  	[dreg:$0x4] =	wrdreg $0xC0  }
0xab: {  	_ =	task [dreg:s7], $0x5FFFF  }
0xac: {  	[dreg:$0x1] =	wrdreg $0xFFFFFFFF  }
0xad: {  	[dreg:$0x0] =	wrdreg $0x60  }
0xae: {  	[dreg:$0x2] =	wrdreg s24  }
0xaf: {  	[dreg:$0x3] =	wrdreg s2  }
0xb0: {  	[dreg:$0x4] =	wrdreg $0x82000  }
0xb1: {  	[dreg:$0x5] =	wrdreg $0x9  }
0xb2: {  	_ =	task.clear_ibuf [dreg:s7], $0x6FFFF;
	_ =	strace $0x90000049  }
0xb3: {  	s29 =	simm.s32 $0x9;
	_ =	strace $0x8000004B  }
0xb4: {  	_ =	swait.ge [sflag:s29], $0x1  }
0xb5: {  	[sflag:s29] =	ssyncadd.s32 $0xFFFFFFFF  }
0xb6: {  	_ =	strace $0x9000004B  }
0xb7: {  	_ =	sfence  }
0xb8: {  	s30 =	sld [smem:$0x0];
	_ =	sdelay $0x2  }
0xb9: {  	s31 =	sshll.u32 s1, $0xD;
	s1 =	sshrl.u32 s1, $0x2  }
0xba: {  	s3 =	sand.u32 $0x4000, s31;
	s1 =	sadd.s32 s1, s30  }
0xbb: {  	s0 =	sor.u32 s3, s0;
	s1 =	sshll.u32 s1, $0x11  }
0xbc: {  	s0 =	sor.u32 s1, s0  }
0xbd: {  	s0 =	sadd.s32 $0x8F2B, s0  }
0xbe: {  	[sflag:s0] =	ssyncadd.remote.s32 $0x1  }
0xbf: {  	_ =	sfence.sel $0xFFFF  }
0xc0: {  	[dreg:$0x0] =	wrdreg $0xFFFFFFFF;
	(pc) =	sbr.abs _section_cstart, $3  }
0xc1: {  	[dreg:$0x1] =	wrdreg $0xFFFFFFFF  }
0xc2: {  	_ =	task.clear_ibuf [dreg:s7], $0x2FFFF;
	_ =	strace $0x9FFFFFFF  }
0xc3: {  	(tm) =	ssettm $0x7FFFFFFF  }
tec
execute0_lowered:
.L_overlay_start_1:
0x0: {  	(tag) =	ssettag $0x1  }
0x1: {  	s0 =	rddreg [dreg:$0x0]  }
0x2: {  	s7 =	rddreg [dreg:$0x1];
	s1 =	srdreg.scid  }
0x3: {  	s2 =	rddreg [dreg:$0x2];
	s19 =	stileid.u32;
	s3 =	simm.s32 $0x0  }
0x4: {  	s28 =	simm.s32 $0x1;
	s29 =	simm.s32 $0x2;
	s6 =	smul.u32 $0x14000, s19  }
0x5: {  	s30 =	simm.s32 $0x0;
	s8 =	sand.u32 $0x1, s1;
	s11 =	smul.u32 $0x50000, s19  }
0x6: {  	[smem:$0x7FF] =	sst s3;
	s4 =	sadd.s32 $0x71800, s0;
	s24 =	smul.u32 $0x2780, s19  }
0x7: {  	s23 =	sshll.u32 s19, $0x6;
	s5 =	smul.u32 $0x140000, s8;
	_ =	strace $0x8000004A  }
0x8: {  	s10 =	ssub.s32 $0x2, s8;
	s12 =	sshll.u32 s8, $0x4;
	s22 =	smul.u32 $0x27800, s8  }
0x9: {  	s8 =	sor.u32 $0x1C03, s23;
	s23 =	simm.s32 $0x80;
	s13 =	sshrl.u32 s10, $0x1  }
0xa: {  	s12 =	sor.u32 s19, s12;
	s20 =	sshrl.u32 s11, $0x2;
	s9 =	sadd.s32 s6, s5  }
0xb: {  	s5 =	sadd.s32 $0x67A00, s0;
	s6 =	sadd.s32 $0x3400, s0;
	s14 =	ssub.s32 s10, s13  }
0xc: {  	s21 =	smul.u32 $0x2780, s12;
	s20 =	sadd.s32 s20, s2;
	s19 =	sadd.s32 s24, s22  }
0xd: {  	s22 =	simm.s32 $0x100;
	s24 =	simm.s32 $0x200;
	s9 =	sshrl.u32 s9, $0x3  }
0xe: {  	s26 =	sadd.s32 $0x180, s19;
	s14 =	smax.u32 s14, $0x1;
	s19 =	sadd.s32 $0x100, s19  }
0xf: {  	s20 =	sshrl.u32 s20, $0x3;
	s0 =	sadd.s32 s9, s0;
	s7 =	sadd.s32 s7, s9  }
0x10: {  	s15 =	sshrl.u32 s21, $0x3;
	s21 =	simm.s32 $0x3;
	[dreg:$0x4] =	wrdreg s7  }
0x11: {  	s25 =	sadd.s32 s5, s15;
	s16 =	sadd.s32 $0x10, s15;
	s10 =	sadd.s32 s6, s15  }
0x12: {  	s13 =	sadd.s32 $0x99800, s0;
	s31 =	sadd.s32 $0x4E0, s15;
	s0 =	sshrl.u32 s26, $0x3  }
0x13: {  	s26 =	simm.s32 $0x4200;
	[dreg:$0x5] =	wrdreg s25;
	s11 =	sadd.s32 s5, s16  }
0x14: {  	s12 =	sadd.s32 s6, s16;
	s15 =	sadd.s32 s5, s31;
	s16 =	sadd.s32 s6, s31  }
0x15: {  	s17 =	sadd.s32 s0, s6;
	s18 =	sadd.s32 s0, s5;
	s25 =	simm.s32 $0x180  }
.LBB2_1:
0x16: {  	s0 =	rddreg [dreg:$0x4]  }
0x17: {  	[spmem:s20], [sflag:s8] =	dma.local [hbm:s0], $0x2800  }
0x18: {  	_ =	swait.ge [sflag:s21], $0x2800  }
0x19: {  	[sflag:s21] =	ssyncset.done $0x0  }
0x1a: {  	[sflag:s21] =	ssyncadd.s32 $0xFFFFD800  }
0x1b: {  	[bflag:$0x0] =	sbarrier.arrive $0xFFFF  }
0x1c: {  	s9 =	rddreg [dreg:$0x5]  }
0x1d: {  	[tilespmem:s3], [sflag:$0x3] =	stream.linear.gather [hbm4b:s9+s3], $0x80, $0x38;
	[tilespmem:$0x1C200] =	vst v63  }
0x1e: {  	_ =	swait.ge [sflag:s21], $0x80  }
0x1f: {  	[sflag:s21] =	ssyncset.done $0x0  }
0x20: {  	[sflag:s21] =	ssyncadd.s32 $0xFFFFFF80  }
0x21: {  	[tilespmem:s22], [sflag:$0x3] =	stream.linear.gather [hbm4b:s10+s3], $0x80, $0x38;
	[tilespmem:$0x1C200] =	vst v63  }
0x22: {  	_ =	swait.ge [sflag:s21], $0x80  }
0x23: {  	[sflag:s21] =	ssyncset.done $0x0  }
0x24: {  	[sflag:s21] =	ssyncadd.s32 $0xFFFFFF80  }
0x25: {  	[tilespmem:s24], [sflag:$0x1] =	stream.indirect.gather [hbm4b:s4+s23], $0x80, s3, s23, $0xb8;
	[tilespmem:$0x1C200] =	vst v63  }
0x26: {  	_ = 	snop  }
0x27: {  	[tilespmem:s23], [sflag:$0x3] =	stream.linear.gather [hbm4b:s11+s3], $0x80, $0x38;
	[tilespmem:$0x1C200] =	vst v63  }
0x28: {  	_ =	swait.ge [sflag:s21], $0x80  }
0x29: {  	[sflag:s21] =	ssyncset.done $0x0  }
0x2a: {  	[sflag:s21] =	ssyncadd.s32 $0xFFFFFF80  }
0x2b: {  	[tilespmem:s25], [sflag:$0x3] =	stream.linear.gather [hbm4b:s12+s3], $0x80, $0x38;
	[tilespmem:$0x1C200] =	vst v63  }
0x2c: {  	_ =	swait.ge [sflag:s21], $0x80  }
0x2d: {  	[sflag:s21] =	ssyncset.done $0x0  }
0x2e: {  	[sflag:s21] =	ssyncadd.s32 $0xFFFFFF80  }
0x2f: {  	[tilespmem:s26], [sflag:$0x2] =	stream.indirect.gather [hbm4b:s4+s23], $0x80, s23, s23, $0xb8;
	[tilespmem:$0x1C200] =	vst v63  }
0x30: {  	_ =	swait.ge [sflag:s28], $0x4000  }
0x31: {  	[sflag:s28] =	ssyncset.done $0x0  }
0x32: {  	[sflag:s28] =	ssyncadd.s32 $0xFFFFC000  }
0x33: {  	[spmem:s2] =	stream.indirect.scatter.add.f32 [tilespmem:s24], [sflag:$0x3], $0x80, s22, s23, $0xb8;
	[tilespmem:$0x1C200] =	vst v63  }
0x34: {  	_ =	swait.ge [sflag:s21], $0x4000  }
0x35: {  	s1 =	sshrl.u32 s19, $0x3;
	[sflag:s21] =	ssyncset.done $0x0  }
0x36: {  	s31 =	sadd.s32 s5, s1;
	[sflag:s21] =	ssyncadd.s32 $0xFFFFC000  }
0x37: {  	[tilespmem:s3], [sflag:$0x3] =	stream.linear.gather [hbm4b:s31+s3], $0x80, $0x38;
	[tilespmem:$0x1C200] =	vst v63  }
0x38: {  	_ =	swait.ge [sflag:s21], $0x80  }
0x39: {  	[sflag:s21] =	ssyncset.done $0x0  }
0x3a: {  	s0 =	sadd.s32 s6, s1;
	[sflag:s21] =	ssyncadd.s32 $0xFFFFFF80  }
0x3b: {  	[tilespmem:s22], [sflag:$0x3] =	stream.linear.gather [hbm4b:s0+s3], $0x80, $0x38;
	[tilespmem:$0x1C200] =	vst v63  }
0x3c: {  	_ =	swait.ge [sflag:s21], $0x80  }
0x3d: {  	[sflag:s21] =	ssyncset.done $0x0  }
0x3e: {  	[sflag:s21] =	ssyncadd.s32 $0xFFFFFF80  }
0x3f: {  	[tilespmem:s24], [sflag:$0x1] =	stream.indirect.gather [hbm4b:s4+s23], $0x80, s3, s23, $0xb8;
	[tilespmem:$0x1C200] =	vst v63  }
0x40: {  	_ =	swait.ge [sflag:s29], $0x4000  }
0x41: {  	[sflag:s29] =	ssyncset.done $0x0  }
0x42: {  	[sflag:s29] =	ssyncadd.s32 $0xFFFFC000  }
0x43: {  	[spmem:s2] =	stream.indirect.scatter.add.f32 [tilespmem:s26], [sflag:$0x3], $0x80, s25, s23, $0xb8;
	[tilespmem:$0x1C200] =	vst v63  }
0x44: {  	_ =	swait.ge [sflag:s21], $0x4000  }
0x45: {  	[sflag:s21] =	ssyncset.done $0x0  }
0x46: {  	s7 =	sadd.s32 $0x0, s18;
	[sflag:s21] =	ssyncadd.s32 $0xFFFFC000  }
0x47: {  	[tilespmem:s23], [sflag:$0x3] =	stream.linear.gather [hbm4b:s7+s3], $0x80, $0x38;
	[tilespmem:$0x1C200] =	vst v63  }
0x48: {  	_ =	swait.ge [sflag:s21], $0x80  }
0x49: {  	[sflag:s21] =	ssyncset.done $0x0  }
0x4a: {  	s9 =	sadd.s32 $0x0, s17;
	[sflag:s21] =	ssyncadd.s32 $0xFFFFFF80  }
0x4b: {  	[tilespmem:s25], [sflag:$0x3] =	stream.linear.gather [hbm4b:s9+s3], $0x80, $0x38;
	[tilespmem:$0x1C200] =	vst v63  }
0x4c: {  	_ =	swait.ge [sflag:s21], $0x80  }
0x4d: {  	[sflag:s21] =	ssyncset.done $0x0  }
0x4e: {  	s31 =	simm.s32 $0x20;
	s0 =	sadd.s32 $0x100, s19;
	[sflag:s21] =	ssyncadd.s32 $0xFFFFFF80  }
.LBB2_2:
0x4f: {  	[tilespmem:s26], [sflag:$0x2] =	stream.indirect.gather [hbm4b:s4+s23], $0x80, s23, s23, $0xb8;
	[tilespmem:$0x1C200] =	vst v63  }
0x50: {  	s1 =	smov.u32 s31  }
0x51: {  	p0 =	sne.s32 s31, $0x4A0;
	s31 =	sadd.s32 $0x20, s31;
	_ =	swait.ge [sflag:s28], $0x4000  }
0x52: {  	[sflag:s28] =	ssyncset.done $0x0  }
0x53: {  	[sflag:s28] =	ssyncadd.s32 $0xFFFFC000  }
0x54: {  	[spmem:s2] =	stream.indirect.scatter.add.f32 [tilespmem:s24], [sflag:$0x3], $0x80, s22, s23, $0xb8;
	[tilespmem:$0x1C200] =	vst v63  }
0x55: {  	_ =	swait.ge [sflag:s21], $0x4000  }
0x56: {  	s7 =	sshrl.u32 s0, $0x3;
	[sflag:s21] =	ssyncset.done $0x0  }
0x57: {  	s9 =	sadd.s32 s5, s7;
	[sflag:s21] =	ssyncadd.s32 $0xFFFFC000  }
0x58: {  	[tilespmem:s3], [sflag:$0x3] =	stream.linear.gather [hbm4b:s9+s3], $0x80, $0x38;
	[tilespmem:$0x1C200] =	vst v63  }
0x59: {  	_ =	swait.ge [sflag:s21], $0x80  }
0x5a: {  	[sflag:s21] =	ssyncset.done $0x0  }
0x5b: {  	s7 =	sadd.s32 s6, s7;
	[sflag:s21] =	ssyncadd.s32 $0xFFFFFF80  }
0x5c: {  	[tilespmem:s22], [sflag:$0x3] =	stream.linear.gather [hbm4b:s7+s3], $0x80, $0x38;
	[tilespmem:$0x1C200] =	vst v63  }
0x5d: {  	_ =	swait.ge [sflag:s21], $0x80  }
0x5e: {  	[sflag:s21] =	ssyncset.done $0x0  }
0x5f: {  	[sflag:s21] =	ssyncadd.s32 $0xFFFFFF80  }
0x60: {  	[tilespmem:s24], [sflag:$0x1] =	stream.indirect.gather [hbm4b:s4+s23], $0x80, s3, s23, $0xb8;
	[tilespmem:$0x1C200] =	vst v63  }
0x61: {  	_ =	swait.ge [sflag:s29], $0x4000  }
0x62: {  	[sflag:s29] =	ssyncset.done $0x0  }
0x63: {  	[sflag:s29] =	ssyncadd.s32 $0xFFFFC000  }
0x64: {  	[spmem:s2] =	stream.indirect.scatter.add.f32 [tilespmem:s26], [sflag:$0x3], $0x80, s25, s23, $0xb8;
	[tilespmem:$0x1C200] =	vst v63  }
0x65: {  	_ =	swait.ge [sflag:s21], $0x4000  }
0x66: {  	[sflag:s21] =	ssyncset.done $0x0  }
0x67: {  	s7 =	sadd.s32 s1, s18;
	[sflag:s21] =	ssyncadd.s32 $0xFFFFC000  }
0x68: {  	[tilespmem:s23], [sflag:$0x3] =	stream.linear.gather [hbm4b:s7+s3], $0x80, $0x38;
	[tilespmem:$0x1C200] =	vst v63  }
0x69: {  	_ =	swait.ge [sflag:s21], $0x80  }
0x6a: {  	[sflag:s21] =	ssyncset.done $0x0  }
.Ltmp0:
0x6b: {  	s1 =	sadd.s32 s1, s17;
	[sflag:s21] =	ssyncadd.s32 $0xFFFFFF80;
	(pc) =	sbr.rel @p0 .LBB2_2-.Ltmp0, $4  }
0x6c: {  	[tilespmem:s25], [sflag:$0x3] =	stream.linear.gather [hbm4b:s1+s3], $0x80, $0x38;
	[tilespmem:$0x1C200] =	vst v63  }
0x6d: {  	_ =	swait.ge [sflag:s21], $0x80  }
0x6e: {  	[sflag:s21] =	ssyncset.done $0x0  }
0x6f: {  	s0 =	sadd.s32 $0x100, s0;
	[sflag:s21] =	ssyncadd.s32 $0xFFFFFF80  }
0x70: {  	[tilespmem:s26], [sflag:$0x2] =	stream.indirect.gather [hbm4b:s4+s23], $0x80, s23, s23, $0xb8;
	[tilespmem:$0x1C200] =	vst v63  }
0x71: {  	_ =	swait.ge [sflag:s28], $0x4000  }
0x72: {  	[sflag:s28] =	ssyncset.done $0x0  }
0x73: {  	[sflag:s28] =	ssyncadd.s32 $0xFFFFC000  }
0x74: {  	[spmem:s2] =	stream.indirect.scatter.add.f32 [tilespmem:s24], [sflag:$0x3], $0x80, s22, s23, $0xb8;
	[tilespmem:$0x1C200] =	vst v63  }
0x75: {  	_ =	swait.ge [sflag:s21], $0x4000  }
0x76: {  	[sflag:s21] =	ssyncset.done $0x0  }
0x77: {  	[sflag:s21] =	ssyncadd.s32 $0xFFFFC000  }
0x78: {  	[tilespmem:s3], [sflag:$0x3] =	stream.linear.gather [hbm4b:s15+s3], $0x80, $0x38;
	[tilespmem:$0x1C200] =	vst v63  }
0x79: {  	_ =	swait.ge [sflag:s21], $0x80  }
0x7a: {  	[sflag:s21] =	ssyncset.done $0x0  }
0x7b: {  	[sflag:s21] =	ssyncadd.s32 $0xFFFFFF80  }
0x7c: {  	[tilespmem:s22], [sflag:$0x3] =	stream.linear.gather [hbm4b:s16+s3], $0x80, $0x38;
	[tilespmem:$0x1C200] =	vst v63  }
0x7d: {  	_ =	swait.ge [sflag:s21], $0x80  }
0x7e: {  	[sflag:s21] =	ssyncset.done $0x0  }
0x7f: {  	[sflag:s21] =	ssyncadd.s32 $0xFFFFFF80  }
0x80: {  	[tilespmem:s24], [sflag:$0x1] =	stream.indirect.gather [hbm4b:s4+s23], $0x80, s3, s23, $0xb8;
	[tilespmem:$0x1C200] =	vst v63  }
0x81: {  	_ =	swait.ge [sflag:s29], $0x4000  }
0x82: {  	[sflag:s29] =	ssyncset.done $0x0  }
0x83: {  	[sflag:s29] =	ssyncadd.s32 $0xFFFFC000  }
0x84: {  	[spmem:s2] =	stream.indirect.scatter.add.f32 [tilespmem:s26], [sflag:$0x3], $0x80, s25, s23, $0xb8;
	[tilespmem:$0x1C200] =	vst v63  }
0x85: {  	_ =	swait.ge [sflag:s21], $0x4000  }
0x86: {  	[sflag:s21] =	ssyncset.done $0x0  }
0x87: {  	[sflag:s21] =	ssyncadd.s32 $0xFFFFC000  }
0x88: {  	_ =	swait.ge [sflag:s28], $0x4000  }
0x89: {  	[sflag:s28] =	ssyncset.done $0x0  }
0x8a: {  	[sflag:s28] =	ssyncadd.s32 $0xFFFFC000  }
0x8b: {  	[spmem:s2] =	stream.indirect.scatter.add.f32 [tilespmem:s24], [sflag:$0x3], $0x80, s22, s23, $0xb8;
	[tilespmem:$0x1C200] =	vst v63  }
0x8c: {  	_ =	swait.ge [sflag:s21], $0x4000  }
0x8d: {  	s30 =	sadd.s32 $0x1, s30;
	[sflag:s21] =	ssyncset.done $0x0  }
0x8e: {  	p0 =	sne.s32 s30, s14;
	[sflag:s21] =	ssyncadd.s32 $0xFFFFC000  }
.Ltmp1:
0x8f: {  	[bflag:$0x0] =	sbarrier.arrive $0xFFFF;
	(pc) =	sbr.rel @p0 .LBB2_1-.Ltmp1, $4  }
0x90: {  	[hbm:s13], [sflag:s8] =	dma.local [spmem:s20], $0x2800  }
0x91: {  	_ =	swait.ge [sflag:s21], $0x2800  }
0x92: {  	[sflag:s21] =	ssyncset.done $0x0  }
0x93: {  	[sflag:s21] =	ssyncadd.s32 $0xFFFFD800  }
0x94: {  	_ =	sfence.sel $0x180000  }
0x95: {  	[bflag:$0x0] =	sbarrier.arrive $0xFFFF  }
0x96: {  	_ =	strace $0x9000004A  }
0x97: {  	s0 =	stileid.u32;
	[bflag:$0x2] =	sbarrier.arrive $0xFFFF  }
0x98: {  	p0 =	sne.s32 s0, $0x0;
	s0 =	rddreg [dreg:$0x3]  }
0x99: {  	s0 =	sadd.s32 @!p0 $0x100000, s0  }
0x9a: {  	[sflag:s0] =	ssyncadd.tile.s32 @!p0 $0x1;
	_ =	shalt  }
.Lfunc_end2:
_tile_overlayer_lowered:
.L_overlay_start_2:
0x9b: {  	(tag) =	ssettag $0x2  }
0x9c: {  	s0 =	rddreg [dreg:$0x0];
	s2 =	stileid.u32  }
0x9d: {  	s1 =	rddreg [dreg:$0x1];
	p0 =	sne.s32 s2, $0x0  }
0x9e: {  	s3 =	rddreg [dreg:$0x2];
	[bflag:$0x3] =	sbarrier.arrive $0xFFFF;
	s2 =	simm.s32 @!p0 $0x1C03  }
0x9f: {  	[timem:s3], [sflag:s2] =	dma.local @!p0 [hbm:s0], s1  }
0xa0: {  	s0 =	simm.s32 @!p0 $0x3  }
0xa1: {  	_ =	swait.ge @!p0 [sflag:s0], s1  }
0xa2: {  	s1 =	ssub.s32 @!p0 $0x0, s1;
	[sflag:s0] =	ssyncset.done @!p0 $0x0  }
0xa3: {  	[sflag:s0] =	ssyncadd.s32 @!p0 s1  }
0xa4: {  	[bflag:$0x3] =	sbarrier.arrive $0xFFFF  }
0xa5: {  	_ =	shalt  }

// kernel: kernel.15.cloned.1.call-start
scs
__scs_entry_jumppad:
0x0: {  	(pc) =	sbr.rel $0x88, $3  }
0x1: {  	(tag) =	ssettag $0x0;
	lr =	simm.s32 $0x1  }
0x2: {  	[smem:$0x3F96] =	sst lr;
	_ =	strace $0xD0000000  }
0x3: {  	_ = 	snop  }
0x4: {  	_ = 	snop  }
0x5: {  	_ = 	snop  }
0x6: {  	_ = 	snop  }
0x7: {  	_ = 	snop  }
__scs_overlays_trampoline_lowered:
0x8: {  	[smem:$0x3FA5] =	sst s0  }
0x9: {  	[smem:$0x3FA6] =	sst s1  }
0xa: {  	[smem:$0x3FA7] =	sst s2  }
0xb: {  	[smem:$0x3FA8] =	sst s3  }
0xc: {  	[smem:$0x3FA9] =	sst s4  }
0xd: {  	[smem:$0x3FAA] =	sst s5  }
0xe: {  	[smem:$0x3FAB] =	sst s6  }
0xf: {  	[smem:$0x3FAC] =	sst s7  }
0x10: {  	[smem:$0x3FAD] =	sst s8  }
0x11: {  	[smem:$0x3FAE] =	sst s9;
	s0 =	simm.s32 @!p0 $0x0  }
0x12: {  	s1 =	sld [smem:$0x3F94];
	s0 =	simm.s32 @p0 $0x1  }
0x13: {  	[smem:$0x3FAF] =	sst s0;
	s0 =	simm.s32 @!p1 $0x0  }
0x14: {  	s2 =	sld [smem:$0x3F93];
	s0 =	simm.s32 @p1 $0x1  }
0x15: {  	[smem:$0x3FB0] =	sst s0;
	s0 =	simm.s32 @!p2 $0x0  }
0x16: {  	s3 =	sld [smem:$0x3FDB];
	s0 =	simm.s32 @p2 $0x1  }
0x17: {  	s4 =	simm.s32 $0x1BF5;
	[smem:$0x3FB2] =	sst s0  }
0x18: {  	s0 =	sld [smem:$0x3F95];
	_ =	swait.ge [sflag:s4], $0x0  }
0x19: {  	s7 =	sld [smem:$0x3F96]  }
0x1a: {  	s8 =	sadd.s32 $0xFFFFE003, lr  }
0x1b: {  	s9 =	sadd.s32 $0xFFFFFEF7, lr;
	s5 =	simm.s32 $0xFFFFFFFF;
	p2 =	slt.u32 s8, $0xFFFFF086  }
0x1c: {  	p1 =	slt.u32 s9, $0xF7A;
	s5 =	simm.s32 @!p2 $0x0  }
0x1d: {  	s5 =	simm.s32 @p1 $0x1;
	p0 =	seq.s32 s7, s2  }
0x1e: {  	s7 =	smul.u32 @!p0 $0xF7A, s2;
	p2 =	seq.s32 @!p0 s5, $0x0  }
0x1f: {  	s9 =	smul.u32 $0xF7A, s1;
	s8 =	simm.s32 @!p0 $0x1BF5;
	p2 =	por !p2, p0  }
0x20: {  	[sflag:s8] =	ssyncset.s32 @!p0 $0xFFFFF086;
	s6 =	sadd.s32 @!p0 s3, s7;
	s7 =	simm.s32 @!p0 $0x108  }
0x21: {  	s3 =	sadd.s32 s3, s9;
	s6 =	sadd.s32 @!p0 $0x88, s6;
	s7 =	simm.s32 @p2 $0x1082  }
0x22: {  	[simem:s7], [sflag:s8] =	dma.local @!p0 [hbm:s6], $0xF7A  }
0x23: {  	s9 =	sor.u32 $0xD0000000, s2;
	s6 =	simm.s32 $0x108;
	_ =	swait.ge @!p0 [sflag:s8], $0x0  }
0x24: {  	s3 =	sadd.s32 $0x88, s3;
	s6 =	simm.s32 @!p1 $0x1082;
	[sflag:s4] =	ssyncset.s32 $0xFFFFF086  }
0x25: {  	[simem:s6], [sflag:s4] =	dma.local [hbm:s3], $0xF7A  }
0x26: {  	[smem:$0x3F96] =	sst s1;
	(tag) =	ssettag s2;
	_ =	strace s9  }
0x27: {  	s1 =	sld [smem:$0x3FA6]  }
0x28: {  	s2 =	sld [smem:$0x3FA7]  }
0x29: {  	s4 =	sld [smem:$0x3FA9]  }
0x2a: {  	p0 =	seq.s32 s5, $0x0;
	s5 =	sld [smem:$0x3FAA]  }
0x2b: {  	s6 =	sld [smem:$0x3FAB]  }
0x2c: {  	s7 =	sld [smem:$0x3FAC]  }
0x2d: {  	s3 =	simm.s32 $0x108;
	s8 =	sld [smem:$0x3FAD]  }
0x2e: {  	s3 =	simm.s32 @!p0 $0x1082;
	s9 =	sld [smem:$0x3FAE]  }
0x2f: {  	lr =	sadd.s32 s0, s3;
	s0 =	sld [smem:$0x3FA5]  }
0x30: {  	s3 =	sld [smem:$0x3FA8]  }
0x31: {  	[smem:$0x3FB1] =	sst s10  }
0x32: {  	s10 =	sld [smem:$0x3FAF];
	_ =	sdelay $0x3  }
0x33: {  	p0 =	seq.s32 s10, $0x1;
	s10 =	sld [smem:$0x3FB1];
	_ =	sdelay $0x3  }
0x34: {  	[smem:$0x3FB1] =	sst s10  }
0x35: {  	s10 =	sld [smem:$0x3FB0];
	_ =	sdelay $0x3  }
0x36: {  	p1 =	seq.s32 s10, $0x1;
	s10 =	sld [smem:$0x3FB1];
	_ =	sdelay $0x3  }
0x37: {  	[smem:$0x3FB1] =	sst s10  }
0x38: {  	s10 =	sld [smem:$0x3FB2]  }
0x39: {  	_ = 	snop;
	(pc) =	sbr.ind lr, $3  }
0x3a: {  	_ = 	snop  }
0x3b: {  	_ = 	snop  }
0x3c: {  	p2 =	seq.s32 s10, $0x1;
	s10 =	sld [smem:$0x3FB1]  }
0x3d: {  	_ =	shalt  }
0x3e: {  	_ =	shalt  }
0x3f: {  	_ =	shalt  }
0x40: {  	_ =	shalt  }
0x41: {  	_ =	shalt  }
0x42: {  	_ =	shalt  }
0x43: {  	_ =	shalt  }
0x44: {  	_ =	shalt  }
0x45: {  	_ =	shalt  }
0x46: {  	_ =	shalt  }
0x47: {  	_ =	shalt  }
0x48: {  	_ =	shalt  }
0x49: {  	_ =	shalt  }
0x4a: {  	_ =	shalt  }
0x4b: {  	_ =	shalt  }
0x4c: {  	_ =	shalt  }
0x4d: {  	_ =	shalt  }
0x4e: {  	_ =	shalt  }
0x4f: {  	_ =	shalt  }
0x50: {  	_ =	shalt  }
0x51: {  	_ =	shalt  }
0x52: {  	_ =	shalt  }
0x53: {  	_ =	shalt  }
0x54: {  	_ =	shalt  }
0x55: {  	_ =	shalt  }
0x56: {  	_ =	shalt  }
0x57: {  	_ =	shalt  }
0x58: {  	_ =	shalt  }
0x59: {  	_ =	shalt  }
0x5a: {  	_ =	shalt  }
0x5b: {  	_ =	shalt  }
0x5c: {  	_ =	shalt  }
0x5d: {  	_ =	shalt  }
0x5e: {  	_ =	shalt  }
0x5f: {  	_ =	shalt  }
0x60: {  	_ =	shalt  }
0x61: {  	_ =	shalt  }
0x62: {  	_ =	shalt  }
0x63: {  	_ =	shalt  }
0x64: {  	_ =	shalt  }
0x65: {  	_ =	shalt  }
0x66: {  	_ =	shalt  }
0x67: {  	_ =	shalt  }
0x68: {  	_ =	shalt  }
0x69: {  	_ =	shalt  }
0x6a: {  	_ =	shalt  }
0x6b: {  	_ =	shalt  }
0x6c: {  	_ =	shalt  }
0x6d: {  	_ =	shalt  }
0x6e: {  	_ =	shalt  }
0x6f: {  	_ =	shalt  }
0x70: {  	_ =	shalt  }
0x71: {  	_ =	shalt  }
0x72: {  	_ =	shalt  }
0x73: {  	_ =	shalt  }
0x74: {  	_ =	shalt  }
0x75: {  	_ =	shalt  }
0x76: {  	_ =	shalt  }
0x77: {  	_ =	shalt  }
0x78: {  	_ =	shalt  }
0x79: {  	_ =	shalt  }
0x7a: {  	_ =	shalt  }
0x7b: {  	_ =	shalt  }
0x7c: {  	_ =	shalt  }
0x7d: {  	_ =	shalt  }
0x7e: {  	_ =	shalt  }
0x7f: {  	_ =	shalt  }
0x80: {  	_ =	shalt  }
0x81: {  	_ =	shalt  }
0x82: {  	_ =	shalt  }
0x83: {  	_ =	shalt  }
0x84: {  	_ =	shalt  }
0x85: {  	_ =	shalt  }
0x86: {  	_ =	shalt  }
0x87: {  	_ =	shalt  }
.Lfunc_end0:
.L_simem_size_0:
called_computation.2_lowered:
.L_overlay_start_0:
0x88: {  	s2 =	sld [smem:$0x3FD9]  }
0x89: {  	s3 =	sld [smem:$0x3FFE];
	_ =	sdelay $0x1  }
0x8a: {  	s1 =	srdreg.scid  }
0x8b: {  	s0 =	sand.u32 $0x1, s1  }
0x8c: {  	s17 =	sshll.u32 s0, $0xA;
	s2 =	sadd.s32 s3, s2  }
0x8d: {  	s2 =	sadd.s32 s2, s17  }
0x8e: {  	[smem:$0x3FBD] =	sst s2  }
0x8f: {  	_ = 	snop  }
0x90: {  	s2 =	sld [smem:$0x3FD0];
	(tm) =	ssettm $0x1  }
0x91: {  	s18 =	sld [smem:$0x3FFB];
	_ =	sdelay $0x3  }
0x92: {  	_ =	strace s18  }
0x93: {  	s3 =	sld [smem:$0x3FFC];
	_ =	sdelay $0x3  }
0x94: {  	_ =	strace s3  }
0x95: {  	s3 =	sld [smem:$0x3FFD];
	_ =	sdelay $0x3  }
0x96: {  	_ =	strace s3  }
0x97: {  	_ =	strace $0x8FFFFFFF  }
0x98: {  	s19 =	sld [smem:$0x3FDB];
	_ =	sdelay $0x1  }
0x99: {  	s4 =	simm.s32 $_scs_section_size  }
0x9a: {  	s5 =	simm.s32 $_size__tile_overlayer_lowered;
	s6 =	simm.s32 $_tile_overlayer_lowered  }
0x9b: {  	s22 =	simm.s32 $0x1BFF;
	s21 =	sshll.u32 s6, $0x1;
	s3 =	sadd.s32 s4, s19  }
0x9c: {  	s7 =	simm.s32 $0x0;
	s20 =	sshll.u32 s5, $0x1;
	s5 =	sadd.s32 s21, s3  }
0x9d: {  	[timem:s7], [sflag:s22] =	dma.local [hbm:s5], s20  }
0x9e: {  	_ =	swait.ge [sflag:s22], s20  }
0x9f: {  	s4 =	ssub.s32 $0x0, s20;
	[sflag:s22] =	ssyncset.done $0x0  }
0xa0: {  	[sflag:s22] =	ssyncadd.s32 s4;
	_ =	sdelay $0x1  }
0xa1: {  	s23 =	simm.s32 $0x1B8B  }
0xa2: {  	_ =	swait.ge [sflag:s23], $0x1  }
0xa3: {  	[sflag:s23] =	ssyncset.done $0x0  }
0xa4: {  	s25 =	simm.s32 $0x1B8E;
	s24 =	sld [smem:$0x3FFE];
	[sflag:s23] =	ssyncadd.s32 $0xFFFFFFFF  }
0xa5: {  	s26 =	simm.s32 $execute0_lowered;
	[smem:$0x3FD2] =	sst s25  }
0xa6: {  	s5 =	sshll.u32 s26, $0x1;
	_ =	strace $0x8000004C;
	[dreg:$0x1] =	wrdreg $0xFFFFFFFF  }
0xa7: {  	s28 =	simm.s32 $_size_execute0_lowered;
	s3 =	sadd.s32 s3, s5;
	[dreg:$0x0] =	wrdreg $0x0  }
0xa8: {  	s5 =	sshll.u32 s28, $0x1;
	[dreg:$0x2] =	wrdreg s3  }
0xa9: {  	[dreg:$0x3] =	wrdreg s5  }
0xaa: {  	[dreg:$0x4] =	wrdreg $0xC0  }
0xab: {  	_ =	task [dreg:s7], $0x5FFFF  }
0xac: {  	[dreg:$0x1] =	wrdreg $0xFFFFFFFF  }
0xad: {  	[dreg:$0x0] =	wrdreg $0x60  }
0xae: {  	[dreg:$0x2] =	wrdreg s24  }
0xaf: {  	[dreg:$0x3] =	wrdreg s2  }
0xb0: {  	[dreg:$0x4] =	wrdreg $0x82000  }
0xb1: {  	[dreg:$0x5] =	wrdreg $0x9  }
0xb2: {  	_ =	task.clear_ibuf [dreg:s7], $0x6FFFF;
	_ =	strace $0x9000004C  }
0xb3: {  	s29 =	simm.s32 $0x9;
	_ =	strace $0x8000004E  }
0xb4: {  	_ =	swait.ge [sflag:s29], $0x1  }
0xb5: {  	[sflag:s29] =	ssyncadd.s32 $0xFFFFFFFF  }
0xb6: {  	_ =	strace $0x9000004E  }
0xb7: {  	_ =	sfence  }
0xb8: {  	s30 =	sld [smem:$0x0];
	_ =	sdelay $0x2  }
0xb9: {  	s31 =	sshll.u32 s1, $0xD;
	s1 =	sshrl.u32 s1, $0x2  }
0xba: {  	s3 =	sand.u32 $0x4000, s31;
	s1 =	sadd.s32 s1, s30  }
0xbb: {  	s0 =	sor.u32 s3, s0;
	s1 =	sshll.u32 s1, $0x11  }
0xbc: {  	s0 =	sor.u32 s1, s0  }
0xbd: {  	s0 =	sadd.s32 $0x8F2B, s0  }
0xbe: {  	[sflag:s0] =	ssyncadd.remote.s32 $0x1  }
0xbf: {  	_ =	sfence.sel $0xFFFF  }
0xc0: {  	[dreg:$0x0] =	wrdreg $0xFFFFFFFF;
	(pc) =	sbr.abs _section_cstart, $3  }
0xc1: {  	[dreg:$0x1] =	wrdreg $0xFFFFFFFF  }
0xc2: {  	_ =	task.clear_ibuf [dreg:s7], $0x2FFFF;
	_ =	strace $0x9FFFFFFF  }
0xc3: {  	(tm) =	ssettm $0x7FFFFFFF  }
tec
execute0_lowered:
.L_overlay_start_1:
0x0: {  	(tag) =	ssettag $0x1  }
0x1: {  	s0 =	rddreg [dreg:$0x0]  }
0x2: {  	s7 =	rddreg [dreg:$0x1];
	s1 =	srdreg.scid  }
0x3: {  	s2 =	rddreg [dreg:$0x2];
	s19 =	stileid.u32;
	s3 =	simm.s32 $0x0  }
0x4: {  	s28 =	simm.s32 $0x1;
	s29 =	simm.s32 $0x2;
	s6 =	smul.u32 $0x14000, s19  }
0x5: {  	s30 =	simm.s32 $0x0;
	s8 =	sand.u32 $0x1, s1;
	s11 =	smul.u32 $0x50000, s19  }
0x6: {  	[smem:$0x7FF] =	sst s3;
	s4 =	sadd.s32 $0x71800, s0;
	s24 =	smul.u32 $0x2780, s19  }
0x7: {  	s23 =	sshll.u32 s19, $0x6;
	s5 =	smul.u32 $0x140000, s8;
	_ =	strace $0x8000004D  }
0x8: {  	s10 =	ssub.s32 $0x2, s8;
	s12 =	sshll.u32 s8, $0x4;
	s22 =	smul.u32 $0x27800, s8  }
0x9: {  	s8 =	sor.u32 $0x1C03, s23;
	s23 =	simm.s32 $0x80;
	s13 =	sshrl.u32 s10, $0x1  }
0xa: {  	s12 =	sor.u32 s19, s12;
	s20 =	sshrl.u32 s11, $0x2;
	s9 =	sadd.s32 s6, s5  }
0xb: {  	s5 =	sadd.s32 $0x67A00, s0;
	s6 =	sadd.s32 $0x3400, s0;
	s14 =	ssub.s32 s10, s13  }
0xc: {  	s21 =	smul.u32 $0x2780, s12;
	s20 =	sadd.s32 s20, s2;
	s19 =	sadd.s32 s24, s22  }
0xd: {  	s22 =	simm.s32 $0x100;
	s24 =	simm.s32 $0x200;
	s9 =	sshrl.u32 s9, $0x3  }
0xe: {  	s26 =	sadd.s32 $0x180, s19;
	s14 =	smax.u32 s14, $0x1;
	s19 =	sadd.s32 $0x100, s19  }
0xf: {  	s20 =	sshrl.u32 s20, $0x3;
	s0 =	sadd.s32 s9, s0;
	s7 =	sadd.s32 s7, s9  }
0x10: {  	s15 =	sshrl.u32 s21, $0x3;
	s21 =	simm.s32 $0x3;
	[dreg:$0x4] =	wrdreg s7  }
0x11: {  	s25 =	sadd.s32 s5, s15;
	s16 =	sadd.s32 $0x10, s15;
	s10 =	sadd.s32 s6, s15  }
0x12: {  	s13 =	sadd.s32 $0x99800, s0;
	s31 =	sadd.s32 $0x4E0, s15;
	s0 =	sshrl.u32 s26, $0x3  }
0x13: {  	s26 =	simm.s32 $0x4200;
	[dreg:$0x5] =	wrdreg s25;
	s11 =	sadd.s32 s5, s16  }
0x14: {  	s12 =	sadd.s32 s6, s16;
	s15 =	sadd.s32 s5, s31;
	s16 =	sadd.s32 s6, s31  }
0x15: {  	s17 =	sadd.s32 s0, s6;
	s18 =	sadd.s32 s0, s5;
	s25 =	simm.s32 $0x180  }
.LBB2_1:
0x16: {  	s0 =	rddreg [dreg:$0x4]  }
0x17: {  	[spmem:s20], [sflag:s8] =	dma.local [hbm:s0], $0x2800  }
0x18: {  	_ =	swait.ge [sflag:s21], $0x2800  }
0x19: {  	[sflag:s21] =	ssyncset.done $0x0  }
0x1a: {  	[sflag:s21] =	ssyncadd.s32 $0xFFFFD800  }
0x1b: {  	[bflag:$0x0] =	sbarrier.arrive $0xFFFF  }
0x1c: {  	s9 =	rddreg [dreg:$0x5]  }
0x1d: {  	[tilespmem:s3], [sflag:$0x3] =	stream.linear.gather [hbm4b:s9+s3], $0x80, $0x38;
	[tilespmem:$0x1C200] =	vst v63  }
0x1e: {  	_ =	swait.ge [sflag:s21], $0x80  }
0x1f: {  	[sflag:s21] =	ssyncset.done $0x0  }
0x20: {  	[sflag:s21] =	ssyncadd.s32 $0xFFFFFF80  }
0x21: {  	[tilespmem:s22], [sflag:$0x3] =	stream.linear.gather [hbm4b:s10+s3], $0x80, $0x38;
	[tilespmem:$0x1C200] =	vst v63  }
0x22: {  	_ =	swait.ge [sflag:s21], $0x80  }
0x23: {  	[sflag:s21] =	ssyncset.done $0x0  }
0x24: {  	[sflag:s21] =	ssyncadd.s32 $0xFFFFFF80  }
0x25: {  	[tilespmem:s24], [sflag:$0x1] =	stream.indirect.gather [hbm4b:s4+s23], $0x80, s3, s23, $0xb8;
	[tilespmem:$0x1C200] =	vst v63  }
0x26: {  	_ = 	snop  }
0x27: {  	[tilespmem:s23], [sflag:$0x3] =	stream.linear.gather [hbm4b:s11+s3], $0x80, $0x38;
	[tilespmem:$0x1C200] =	vst v63  }
0x28: {  	_ =	swait.ge [sflag:s21], $0x80  }
0x29: {  	[sflag:s21] =	ssyncset.done $0x0  }
0x2a: {  	[sflag:s21] =	ssyncadd.s32 $0xFFFFFF80  }
0x2b: {  	[tilespmem:s25], [sflag:$0x3] =	stream.linear.gather [hbm4b:s12+s3], $0x80, $0x38;
	[tilespmem:$0x1C200] =	vst v63  }
0x2c: {  	_ =	swait.ge [sflag:s21], $0x80  }
0x2d: {  	[sflag:s21] =	ssyncset.done $0x0  }
0x2e: {  	[sflag:s21] =	ssyncadd.s32 $0xFFFFFF80  }
0x2f: {  	[tilespmem:s26], [sflag:$0x2] =	stream.indirect.gather [hbm4b:s4+s23], $0x80, s23, s23, $0xb8;
	[tilespmem:$0x1C200] =	vst v63  }
0x30: {  	_ =	swait.ge [sflag:s28], $0x4000  }
0x31: {  	[sflag:s28] =	ssyncset.done $0x0  }
0x32: {  	[sflag:s28] =	ssyncadd.s32 $0xFFFFC000  }
0x33: {  	[spmem:s2] =	stream.indirect.scatter.add.f32 [tilespmem:s24], [sflag:$0x3], $0x80, s22, s23, $0xb8;
	[tilespmem:$0x1C200] =	vst v63  }
0x34: {  	_ =	swait.ge [sflag:s21], $0x4000  }
0x35: {  	s1 =	sshrl.u32 s19, $0x3;
	[sflag:s21] =	ssyncset.done $0x0  }
0x36: {  	s31 =	sadd.s32 s5, s1;
	[sflag:s21] =	ssyncadd.s32 $0xFFFFC000  }
0x37: {  	[tilespmem:s3], [sflag:$0x3] =	stream.linear.gather [hbm4b:s31+s3], $0x80, $0x38;
	[tilespmem:$0x1C200] =	vst v63  }
0x38: {  	_ =	swait.ge [sflag:s21], $0x80  }
0x39: {  	[sflag:s21] =	ssyncset.done $0x0  }
0x3a: {  	s0 =	sadd.s32 s6, s1;
	[sflag:s21] =	ssyncadd.s32 $0xFFFFFF80  }
0x3b: {  	[tilespmem:s22], [sflag:$0x3] =	stream.linear.gather [hbm4b:s0+s3], $0x80, $0x38;
	[tilespmem:$0x1C200] =	vst v63  }
0x3c: {  	_ =	swait.ge [sflag:s21], $0x80  }
0x3d: {  	[sflag:s21] =	ssyncset.done $0x0  }
0x3e: {  	[sflag:s21] =	ssyncadd.s32 $0xFFFFFF80  }
0x3f: {  	[tilespmem:s24], [sflag:$0x1] =	stream.indirect.gather [hbm4b:s4+s23], $0x80, s3, s23, $0xb8;
	[tilespmem:$0x1C200] =	vst v63  }
0x40: {  	_ =	swait.ge [sflag:s29], $0x4000  }
0x41: {  	[sflag:s29] =	ssyncset.done $0x0  }
0x42: {  	[sflag:s29] =	ssyncadd.s32 $0xFFFFC000  }
0x43: {  	[spmem:s2] =	stream.indirect.scatter.add.f32 [tilespmem:s26], [sflag:$0x3], $0x80, s25, s23, $0xb8;
	[tilespmem:$0x1C200] =	vst v63  }
0x44: {  	_ =	swait.ge [sflag:s21], $0x4000  }
0x45: {  	[sflag:s21] =	ssyncset.done $0x0  }
0x46: {  	s7 =	sadd.s32 $0x0, s18;
	[sflag:s21] =	ssyncadd.s32 $0xFFFFC000  }
0x47: {  	[tilespmem:s23], [sflag:$0x3] =	stream.linear.gather [hbm4b:s7+s3], $0x80, $0x38;
	[tilespmem:$0x1C200] =	vst v63  }
0x48: {  	_ =	swait.ge [sflag:s21], $0x80  }
0x49: {  	[sflag:s21] =	ssyncset.done $0x0  }
0x4a: {  	s9 =	sadd.s32 $0x0, s17;
	[sflag:s21] =	ssyncadd.s32 $0xFFFFFF80  }
0x4b: {  	[tilespmem:s25], [sflag:$0x3] =	stream.linear.gather [hbm4b:s9+s3], $0x80, $0x38;
	[tilespmem:$0x1C200] =	vst v63  }
0x4c: {  	_ =	swait.ge [sflag:s21], $0x80  }
0x4d: {  	[sflag:s21] =	ssyncset.done $0x0  }
0x4e: {  	s31 =	simm.s32 $0x20;
	s0 =	sadd.s32 $0x100, s19;
	[sflag:s21] =	ssyncadd.s32 $0xFFFFFF80  }
.LBB2_2:
0x4f: {  	[tilespmem:s26], [sflag:$0x2] =	stream.indirect.gather [hbm4b:s4+s23], $0x80, s23, s23, $0xb8;
	[tilespmem:$0x1C200] =	vst v63  }
0x50: {  	s1 =	smov.u32 s31  }
0x51: {  	p0 =	sne.s32 s31, $0x4A0;
	s31 =	sadd.s32 $0x20, s31;
	_ =	swait.ge [sflag:s28], $0x4000  }
0x52: {  	[sflag:s28] =	ssyncset.done $0x0  }
0x53: {  	[sflag:s28] =	ssyncadd.s32 $0xFFFFC000  }
0x54: {  	[spmem:s2] =	stream.indirect.scatter.add.f32 [tilespmem:s24], [sflag:$0x3], $0x80, s22, s23, $0xb8;
	[tilespmem:$0x1C200] =	vst v63  }
0x55: {  	_ =	swait.ge [sflag:s21], $0x4000  }
0x56: {  	s7 =	sshrl.u32 s0, $0x3;
	[sflag:s21] =	ssyncset.done $0x0  }
0x57: {  	s9 =	sadd.s32 s5, s7;
	[sflag:s21] =	ssyncadd.s32 $0xFFFFC000  }
0x58: {  	[tilespmem:s3], [sflag:$0x3] =	stream.linear.gather [hbm4b:s9+s3], $0x80, $0x38;
	[tilespmem:$0x1C200] =	vst v63  }
0x59: {  	_ =	swait.ge [sflag:s21], $0x80  }
0x5a: {  	[sflag:s21] =	ssyncset.done $0x0  }
0x5b: {  	s7 =	sadd.s32 s6, s7;
	[sflag:s21] =	ssyncadd.s32 $0xFFFFFF80  }
0x5c: {  	[tilespmem:s22], [sflag:$0x3] =	stream.linear.gather [hbm4b:s7+s3], $0x80, $0x38;
	[tilespmem:$0x1C200] =	vst v63  }
0x5d: {  	_ =	swait.ge [sflag:s21], $0x80  }
0x5e: {  	[sflag:s21] =	ssyncset.done $0x0  }
0x5f: {  	[sflag:s21] =	ssyncadd.s32 $0xFFFFFF80  }
0x60: {  	[tilespmem:s24], [sflag:$0x1] =	stream.indirect.gather [hbm4b:s4+s23], $0x80, s3, s23, $0xb8;
	[tilespmem:$0x1C200] =	vst v63  }
0x61: {  	_ =	swait.ge [sflag:s29], $0x4000  }
0x62: {  	[sflag:s29] =	ssyncset.done $0x0  }
0x63: {  	[sflag:s29] =	ssyncadd.s32 $0xFFFFC000  }
0x64: {  	[spmem:s2] =	stream.indirect.scatter.add.f32 [tilespmem:s26], [sflag:$0x3], $0x80, s25, s23, $0xb8;
	[tilespmem:$0x1C200] =	vst v63  }
0x65: {  	_ =	swait.ge [sflag:s21], $0x4000  }
0x66: {  	[sflag:s21] =	ssyncset.done $0x0  }
0x67: {  	s7 =	sadd.s32 s1, s18;
	[sflag:s21] =	ssyncadd.s32 $0xFFFFC000  }
0x68: {  	[tilespmem:s23], [sflag:$0x3] =	stream.linear.gather [hbm4b:s7+s3], $0x80, $0x38;
	[tilespmem:$0x1C200] =	vst v63  }
0x69: {  	_ =	swait.ge [sflag:s21], $0x80  }
0x6a: {  	[sflag:s21] =	ssyncset.done $0x0  }
.Ltmp0:
0x6b: {  	s1 =	sadd.s32 s1, s17;
	[sflag:s21] =	ssyncadd.s32 $0xFFFFFF80;
	(pc) =	sbr.rel @p0 .LBB2_2-.Ltmp0, $4  }
0x6c: {  	[tilespmem:s25], [sflag:$0x3] =	stream.linear.gather [hbm4b:s1+s3], $0x80, $0x38;
	[tilespmem:$0x1C200] =	vst v63  }
0x6d: {  	_ =	swait.ge [sflag:s21], $0x80  }
0x6e: {  	[sflag:s21] =	ssyncset.done $0x0  }
0x6f: {  	s0 =	sadd.s32 $0x100, s0;
	[sflag:s21] =	ssyncadd.s32 $0xFFFFFF80  }
0x70: {  	[tilespmem:s26], [sflag:$0x2] =	stream.indirect.gather [hbm4b:s4+s23], $0x80, s23, s23, $0xb8;
	[tilespmem:$0x1C200] =	vst v63  }
0x71: {  	_ =	swait.ge [sflag:s28], $0x4000  }
0x72: {  	[sflag:s28] =	ssyncset.done $0x0  }
0x73: {  	[sflag:s28] =	ssyncadd.s32 $0xFFFFC000  }
0x74: {  	[spmem:s2] =	stream.indirect.scatter.add.f32 [tilespmem:s24], [sflag:$0x3], $0x80, s22, s23, $0xb8;
	[tilespmem:$0x1C200] =	vst v63  }
0x75: {  	_ =	swait.ge [sflag:s21], $0x4000  }
0x76: {  	[sflag:s21] =	ssyncset.done $0x0  }
0x77: {  	[sflag:s21] =	ssyncadd.s32 $0xFFFFC000  }
0x78: {  	[tilespmem:s3], [sflag:$0x3] =	stream.linear.gather [hbm4b:s15+s3], $0x80, $0x38;
	[tilespmem:$0x1C200] =	vst v63  }
0x79: {  	_ =	swait.ge [sflag:s21], $0x80  }
0x7a: {  	[sflag:s21] =	ssyncset.done $0x0  }
0x7b: {  	[sflag:s21] =	ssyncadd.s32 $0xFFFFFF80  }
0x7c: {  	[tilespmem:s22], [sflag:$0x3] =	stream.linear.gather [hbm4b:s16+s3], $0x80, $0x38;
	[tilespmem:$0x1C200] =	vst v63  }
0x7d: {  	_ =	swait.ge [sflag:s21], $0x80  }
0x7e: {  	[sflag:s21] =	ssyncset.done $0x0  }
0x7f: {  	[sflag:s21] =	ssyncadd.s32 $0xFFFFFF80  }
0x80: {  	[tilespmem:s24], [sflag:$0x1] =	stream.indirect.gather [hbm4b:s4+s23], $0x80, s3, s23, $0xb8;
	[tilespmem:$0x1C200] =	vst v63  }
0x81: {  	_ =	swait.ge [sflag:s29], $0x4000  }
0x82: {  	[sflag:s29] =	ssyncset.done $0x0  }
0x83: {  	[sflag:s29] =	ssyncadd.s32 $0xFFFFC000  }
0x84: {  	[spmem:s2] =	stream.indirect.scatter.add.f32 [tilespmem:s26], [sflag:$0x3], $0x80, s25, s23, $0xb8;
	[tilespmem:$0x1C200] =	vst v63  }
0x85: {  	_ =	swait.ge [sflag:s21], $0x4000  }
0x86: {  	[sflag:s21] =	ssyncset.done $0x0  }
0x87: {  	[sflag:s21] =	ssyncadd.s32 $0xFFFFC000  }
0x88: {  	_ =	swait.ge [sflag:s28], $0x4000  }
0x89: {  	[sflag:s28] =	ssyncset.done $0x0  }
0x8a: {  	[sflag:s28] =	ssyncadd.s32 $0xFFFFC000  }
0x8b: {  	[spmem:s2] =	stream.indirect.scatter.add.f32 [tilespmem:s24], [sflag:$0x3], $0x80, s22, s23, $0xb8;
	[tilespmem:$0x1C200] =	vst v63  }
0x8c: {  	_ =	swait.ge [sflag:s21], $0x4000  }
0x8d: {  	s30 =	sadd.s32 $0x1, s30;
	[sflag:s21] =	ssyncset.done $0x0  }
0x8e: {  	p0 =	sne.s32 s30, s14;
	[sflag:s21] =	ssyncadd.s32 $0xFFFFC000  }
.Ltmp1:
0x8f: {  	[bflag:$0x0] =	sbarrier.arrive $0xFFFF;
	(pc) =	sbr.rel @p0 .LBB2_1-.Ltmp1, $4  }
0x90: {  	[hbm:s13], [sflag:s8] =	dma.local [spmem:s20], $0x2800  }
0x91: {  	_ =	swait.ge [sflag:s21], $0x2800  }
0x92: {  	[sflag:s21] =	ssyncset.done $0x0  }
0x93: {  	[sflag:s21] =	ssyncadd.s32 $0xFFFFD800  }
0x94: {  	_ =	sfence.sel $0x180000  }
0x95: {  	[bflag:$0x0] =	sbarrier.arrive $0xFFFF  }
0x96: {  	_ =	strace $0x9000004D  }
0x97: {  	s0 =	stileid.u32;
	[bflag:$0x2] =	sbarrier.arrive $0xFFFF  }
0x98: {  	p0 =	sne.s32 s0, $0x0;
	s0 =	rddreg [dreg:$0x3]  }
0x99: {  	s0 =	sadd.s32 @!p0 $0x100000, s0  }
0x9a: {  	[sflag:s0] =	ssyncadd.tile.s32 @!p0 $0x1;
	_ =	shalt  }
.Lfunc_end2:
_tile_overlayer_lowered:
.L_overlay_start_2:
0x9b: {  	(tag) =	ssettag $0x2  }
0x9c: {  	s0 =	rddreg [dreg:$0x0];
	s2 =	stileid.u32  }
0x9d: {  	s1 =	rddreg [dreg:$0x1];
	p0 =	sne.s32 s2, $0x0  }
0x9e: {  	s3 =	rddreg [dreg:$0x2];
	[bflag:$0x3] =	sbarrier.arrive $0xFFFF;
	s2 =	simm.s32 @!p0 $0x1C03  }
0x9f: {  	[timem:s3], [sflag:s2] =	dma.local @!p0 [hbm:s0], s1  }
0xa0: {  	s0 =	simm.s32 @!p0 $0x3  }
0xa1: {  	_ =	swait.ge @!p0 [sflag:s0], s1  }
0xa2: {  	s1 =	ssub.s32 @!p0 $0x0, s1;
	[sflag:s0] =	ssyncset.done @!p0 $0x0  }
0xa3: {  	[sflag:s0] =	ssyncadd.s32 @!p0 s1  }
0xa4: {  	[bflag:$0x3] =	sbarrier.arrive $0xFFFF  }
0xa5: {  	_ =	shalt  }

// kernel: kernel.9.cloned.1.call-start
scs
__scs_entry_jumppad:
0x0: {  	(pc) =	sbr.rel $0x88, $3  }
0x1: {  	(tag) =	ssettag $0x0;
	lr =	simm.s32 $0x1  }
0x2: {  	[smem:$0x3F96] =	sst lr;
	_ =	strace $0xD0000000  }
0x3: {  	_ = 	snop  }
0x4: {  	_ = 	snop  }
0x5: {  	_ = 	snop  }
0x6: {  	_ = 	snop  }
0x7: {  	_ = 	snop  }
__scs_overlays_trampoline_lowered:
0x8: {  	[smem:$0x3FA5] =	sst s0  }
0x9: {  	[smem:$0x3FA6] =	sst s1  }
0xa: {  	[smem:$0x3FA7] =	sst s2  }
0xb: {  	[smem:$0x3FA8] =	sst s3  }
0xc: {  	[smem:$0x3FA9] =	sst s4  }
0xd: {  	[smem:$0x3FAA] =	sst s5  }
0xe: {  	[smem:$0x3FAB] =	sst s6  }
0xf: {  	[smem:$0x3FAC] =	sst s7  }
0x10: {  	[smem:$0x3FAD] =	sst s8  }
0x11: {  	[smem:$0x3FAE] =	sst s9;
	s0 =	simm.s32 @!p0 $0x0  }
0x12: {  	s1 =	sld [smem:$0x3F94];
	s0 =	simm.s32 @p0 $0x1  }
0x13: {  	[smem:$0x3FAF] =	sst s0;
	s0 =	simm.s32 @!p1 $0x0  }
0x14: {  	s2 =	sld [smem:$0x3F93];
	s0 =	simm.s32 @p1 $0x1  }
0x15: {  	[smem:$0x3FB0] =	sst s0;
	s0 =	simm.s32 @!p2 $0x0  }
0x16: {  	s3 =	sld [smem:$0x3FDB];
	s0 =	simm.s32 @p2 $0x1  }
0x17: {  	s4 =	simm.s32 $0x1BF5;
	[smem:$0x3FB2] =	sst s0  }
0x18: {  	s0 =	sld [smem:$0x3F95];
	_ =	swait.ge [sflag:s4], $0x0  }
0x19: {  	s7 =	sld [smem:$0x3F96]  }
0x1a: {  	s8 =	sadd.s32 $0xFFFFE003, lr  }
0x1b: {  	s9 =	sadd.s32 $0xFFFFFEF7, lr;
	s5 =	simm.s32 $0xFFFFFFFF;
	p2 =	slt.u32 s8, $0xFFFFF086  }
0x1c: {  	p1 =	slt.u32 s9, $0xF7A;
	s5 =	simm.s32 @!p2 $0x0  }
0x1d: {  	s5 =	simm.s32 @p1 $0x1;
	p0 =	seq.s32 s7, s2  }
0x1e: {  	s7 =	smul.u32 @!p0 $0xF7A, s2;
	p2 =	seq.s32 @!p0 s5, $0x0  }
0x1f: {  	s9 =	smul.u32 $0xF7A, s1;
	s8 =	simm.s32 @!p0 $0x1BF5;
	p2 =	por !p2, p0  }
0x20: {  	[sflag:s8] =	ssyncset.s32 @!p0 $0xFFFFF086;
	s6 =	sadd.s32 @!p0 s3, s7;
	s7 =	simm.s32 @!p0 $0x108  }
0x21: {  	s3 =	sadd.s32 s3, s9;
	s6 =	sadd.s32 @!p0 $0x88, s6;
	s7 =	simm.s32 @p2 $0x1082  }
0x22: {  	[simem:s7], [sflag:s8] =	dma.local @!p0 [hbm:s6], $0xF7A  }
0x23: {  	s9 =	sor.u32 $0xD0000000, s2;
	s6 =	simm.s32 $0x108;
	_ =	swait.ge @!p0 [sflag:s8], $0x0  }
0x24: {  	s3 =	sadd.s32 $0x88, s3;
	s6 =	simm.s32 @!p1 $0x1082;
	[sflag:s4] =	ssyncset.s32 $0xFFFFF086  }
0x25: {  	[simem:s6], [sflag:s4] =	dma.local [hbm:s3], $0xF7A  }
0x26: {  	[smem:$0x3F96] =	sst s1;
	(tag) =	ssettag s2;
	_ =	strace s9  }
0x27: {  	s1 =	sld [smem:$0x3FA6]  }
0x28: {  	s2 =	sld [smem:$0x3FA7]  }
0x29: {  	s4 =	sld [smem:$0x3FA9]  }
0x2a: {  	p0 =	seq.s32 s5, $0x0;
	s5 =	sld [smem:$0x3FAA]  }
0x2b: {  	s6 =	sld [smem:$0x3FAB]  }
0x2c: {  	s7 =	sld [smem:$0x3FAC]  }
0x2d: {  	s3 =	simm.s32 $0x108;
	s8 =	sld [smem:$0x3FAD]  }
0x2e: {  	s3 =	simm.s32 @!p0 $0x1082;
	s9 =	sld [smem:$0x3FAE]  }
0x2f: {  	lr =	sadd.s32 s0, s3;
	s0 =	sld [smem:$0x3FA5]  }
0x30: {  	s3 =	sld [smem:$0x3FA8]  }
0x31: {  	[smem:$0x3FB1] =	sst s10  }
0x32: {  	s10 =	sld [smem:$0x3FAF];
	_ =	sdelay $0x3  }
0x33: {  	p0 =	seq.s32 s10, $0x1;
	s10 =	sld [smem:$0x3FB1];
	_ =	sdelay $0x3  }
0x34: {  	[smem:$0x3FB1] =	sst s10  }
0x35: {  	s10 =	sld [smem:$0x3FB0];
	_ =	sdelay $0x3  }
0x36: {  	p1 =	seq.s32 s10, $0x1;
	s10 =	sld [smem:$0x3FB1];
	_ =	sdelay $0x3  }
0x37: {  	[smem:$0x3FB1] =	sst s10  }
0x38: {  	s10 =	sld [smem:$0x3FB2]  }
0x39: {  	_ = 	snop;
	(pc) =	sbr.ind lr, $3  }
0x3a: {  	_ = 	snop  }
0x3b: {  	_ = 	snop  }
0x3c: {  	p2 =	seq.s32 s10, $0x1;
	s10 =	sld [smem:$0x3FB1]  }
0x3d: {  	_ =	shalt  }
0x3e: {  	_ =	shalt  }
0x3f: {  	_ =	shalt  }
0x40: {  	_ =	shalt  }
0x41: {  	_ =	shalt  }
0x42: {  	_ =	shalt  }
0x43: {  	_ =	shalt  }
0x44: {  	_ =	shalt  }
0x45: {  	_ =	shalt  }
0x46: {  	_ =	shalt  }
0x47: {  	_ =	shalt  }
0x48: {  	_ =	shalt  }
0x49: {  	_ =	shalt  }
0x4a: {  	_ =	shalt  }
0x4b: {  	_ =	shalt  }
0x4c: {  	_ =	shalt  }
0x4d: {  	_ =	shalt  }
0x4e: {  	_ =	shalt  }
0x4f: {  	_ =	shalt  }
0x50: {  	_ =	shalt  }
0x51: {  	_ =	shalt  }
0x52: {  	_ =	shalt  }
0x53: {  	_ =	shalt  }
0x54: {  	_ =	shalt  }
0x55: {  	_ =	shalt  }
0x56: {  	_ =	shalt  }
0x57: {  	_ =	shalt  }
0x58: {  	_ =	shalt  }
0x59: {  	_ =	shalt  }
0x5a: {  	_ =	shalt  }
0x5b: {  	_ =	shalt  }
0x5c: {  	_ =	shalt  }
0x5d: {  	_ =	shalt  }
0x5e: {  	_ =	shalt  }
0x5f: {  	_ =	shalt  }
0x60: {  	_ =	shalt  }
0x61: {  	_ =	shalt  }
0x62: {  	_ =	shalt  }
0x63: {  	_ =	shalt  }
0x64: {  	_ =	shalt  }
0x65: {  	_ =	shalt  }
0x66: {  	_ =	shalt  }
0x67: {  	_ =	shalt  }
0x68: {  	_ =	shalt  }
0x69: {  	_ =	shalt  }
0x6a: {  	_ =	shalt  }
0x6b: {  	_ =	shalt  }
0x6c: {  	_ =	shalt  }
0x6d: {  	_ =	shalt  }
0x6e: {  	_ =	shalt  }
0x6f: {  	_ =	shalt  }
0x70: {  	_ =	shalt  }
0x71: {  	_ =	shalt  }
0x72: {  	_ =	shalt  }
0x73: {  	_ =	shalt  }
0x74: {  	_ =	shalt  }
0x75: {  	_ =	shalt  }
0x76: {  	_ =	shalt  }
0x77: {  	_ =	shalt  }
0x78: {  	_ =	shalt  }
0x79: {  	_ =	shalt  }
0x7a: {  	_ =	shalt  }
0x7b: {  	_ =	shalt  }
0x7c: {  	_ =	shalt  }
0x7d: {  	_ =	shalt  }
0x7e: {  	_ =	shalt  }
0x7f: {  	_ =	shalt  }
0x80: {  	_ =	shalt  }
0x81: {  	_ =	shalt  }
0x82: {  	_ =	shalt  }
0x83: {  	_ =	shalt  }
0x84: {  	_ =	shalt  }
0x85: {  	_ =	shalt  }
0x86: {  	_ =	shalt  }
0x87: {  	_ =	shalt  }
.Lfunc_end0:
.L_simem_size_0:
called_computation_lowered:
.L_overlay_start_0:
0x88: {  	s2 =	sld [smem:$0x3FD9]  }
0x89: {  	s3 =	sld [smem:$0x3FFE];
	_ =	sdelay $0x1  }
0x8a: {  	s1 =	srdreg.scid  }
0x8b: {  	s0 =	sand.u32 $0x1, s1  }
0x8c: {  	s17 =	sshll.u32 s0, $0xA;
	s2 =	sadd.s32 s3, s2  }
0x8d: {  	s2 =	sadd.s32 s2, s17  }
0x8e: {  	[smem:$0x3FBD] =	sst s2  }
0x8f: {  	_ = 	snop  }
0x90: {  	s2 =	sld [smem:$0x3FD0];
	(tm) =	ssettm $0x1  }
0x91: {  	s18 =	sld [smem:$0x3FFB];
	_ =	sdelay $0x3  }
0x92: {  	_ =	strace s18  }
0x93: {  	s3 =	sld [smem:$0x3FFC];
	_ =	sdelay $0x3  }
0x94: {  	_ =	strace s3  }
0x95: {  	s3 =	sld [smem:$0x3FFD];
	_ =	sdelay $0x3  }
0x96: {  	_ =	strace s3  }
0x97: {  	_ =	strace $0x8FFFFFFF  }
0x98: {  	s19 =	sld [smem:$0x3FDB];
	_ =	sdelay $0x1  }
0x99: {  	s4 =	simm.s32 $_scs_section_size  }
0x9a: {  	s5 =	simm.s32 $_size__tile_overlayer_lowered;
	s6 =	simm.s32 $_tile_overlayer_lowered  }
0x9b: {  	s22 =	simm.s32 $0x1BFF;
	s21 =	sshll.u32 s6, $0x1;
	s3 =	sadd.s32 s4, s19  }
0x9c: {  	s7 =	simm.s32 $0x0;
	s20 =	sshll.u32 s5, $0x1;
	s5 =	sadd.s32 s21, s3  }
0x9d: {  	[timem:s7], [sflag:s22] =	dma.local [hbm:s5], s20  }
0x9e: {  	_ =	swait.ge [sflag:s22], s20  }
0x9f: {  	s4 =	ssub.s32 $0x0, s20;
	[sflag:s22] =	ssyncset.done $0x0  }
0xa0: {  	[sflag:s22] =	ssyncadd.s32 s4;
	_ =	sdelay $0x1  }
0xa1: {  	s23 =	simm.s32 $0x1B8B  }
0xa2: {  	_ =	swait.ge [sflag:s23], $0x1  }
0xa3: {  	[sflag:s23] =	ssyncset.done $0x0  }
0xa4: {  	s25 =	simm.s32 $0x1B8E;
	s24 =	sld [smem:$0x3FFE];
	[sflag:s23] =	ssyncadd.s32 $0xFFFFFFFF  }
0xa5: {  	s26 =	simm.s32 $execute0_lowered;
	[smem:$0x3FD2] =	sst s25  }
0xa6: {  	s5 =	sshll.u32 s26, $0x1;
	_ =	strace $0x80000046;
	[dreg:$0x1] =	wrdreg $0xFFFFFFFF  }
0xa7: {  	s28 =	simm.s32 $_size_execute0_lowered;
	s3 =	sadd.s32 s3, s5;
	[dreg:$0x0] =	wrdreg $0x0  }
0xa8: {  	s5 =	sshll.u32 s28, $0x1;
	[dreg:$0x2] =	wrdreg s3  }
0xa9: {  	[dreg:$0x3] =	wrdreg s5  }
0xaa: {  	[dreg:$0x4] =	wrdreg $0xC0  }
0xab: {  	_ =	task [dreg:s7], $0x5FFFF  }
0xac: {  	[dreg:$0x1] =	wrdreg $0xFFFFFFFF  }
0xad: {  	[dreg:$0x0] =	wrdreg $0x60  }
0xae: {  	[dreg:$0x2] =	wrdreg s24  }
0xaf: {  	[dreg:$0x3] =	wrdreg s2  }
0xb0: {  	[dreg:$0x4] =	wrdreg $0x68000  }
0xb1: {  	[dreg:$0x5] =	wrdreg $0x9  }
0xb2: {  	_ =	task.clear_ibuf [dreg:s7], $0x6FFFF;
	_ =	strace $0x90000046  }
0xb3: {  	s29 =	simm.s32 $0x9;
	_ =	strace $0x80000048  }
0xb4: {  	_ =	swait.ge [sflag:s29], $0x1  }
0xb5: {  	[sflag:s29] =	ssyncadd.s32 $0xFFFFFFFF  }
0xb6: {  	_ =	strace $0x90000048  }
0xb7: {  	_ =	sfence  }
0xb8: {  	s30 =	sld [smem:$0x0];
	_ =	sdelay $0x2  }
0xb9: {  	s31 =	sshll.u32 s1, $0xD;
	s1 =	sshrl.u32 s1, $0x2  }
0xba: {  	s3 =	sand.u32 $0x4000, s31;
	s1 =	sadd.s32 s1, s30  }
0xbb: {  	s0 =	sor.u32 s3, s0;
	s1 =	sshll.u32 s1, $0x11  }
0xbc: {  	s0 =	sor.u32 s1, s0  }
0xbd: {  	s0 =	sadd.s32 $0x8F2B, s0  }
0xbe: {  	[sflag:s0] =	ssyncadd.remote.s32 $0x1  }
0xbf: {  	_ =	sfence.sel $0xFFFF  }
0xc0: {  	[dreg:$0x0] =	wrdreg $0xFFFFFFFF;
	(pc) =	sbr.abs _section_cstart, $3  }
0xc1: {  	[dreg:$0x1] =	wrdreg $0xFFFFFFFF  }
0xc2: {  	_ =	task.clear_ibuf [dreg:s7], $0x2FFFF;
	_ =	strace $0x9FFFFFFF  }
0xc3: {  	(tm) =	ssettm $0x7FFFFFFF  }
tec
execute0_lowered:
.L_overlay_start_1:
0x0: {  	(tag) =	ssettag $0x1  }
0x1: {  	s5 =	rddreg [dreg:$0x0]  }
0x2: {  	s6 =	rddreg [dreg:$0x1]  }
0x3: {  	s0 =	srdreg.scid;
	s2 =	rddreg [dreg:$0x2];
	s3 =	simm.s32 $0x0  }
0x4: {  	s12 =	simm.s32 $0x2800;
	s4 =	sand.u32 $0x1, s0;
	s0 =	stileid.u32  }
0x5: {  	s13 =	simm.s32 $0x80;
	s14 =	simm.s32 $0x0;
	s8 =	smul.u32 $0x14000, s0  }
0x6: {  	[smem:$0x7FF] =	sst s3;
	s1 =	sshll.u32 s4, $0x4;
	s9 =	smul.u32 $0x140000, s4  }
0x7: {  	s10 =	ssub.s32 $0x2, s4;
	s11 =	smul.u32 $0x50000, s0;
	s4 =	sadd.s32 $0x17200, s5  }
0x8: {  	s31 =	sshll.u32 s0, $0x6;
	s1 =	sor.u32 s0, s1;
	s29 =	sshrl.u32 s10, $0x1  }
0x9: {  	s7 =	smul.u32 $0x500, s1;
	s1 =	rddreg [dreg:$0x3];
	_ =	strace $0x80000047  }
0xa: {  	s9 =	sadd.s32 s8, s9;
	s10 =	ssub.s32 s10, s29;
	s30 =	sshrl.u32 s11, $0x2  }
0xb: {  	s8 =	sshrl.u32 s8, $0x3;
	s9 =	sshrl.u32 s9, $0x3;
	s11 =	sadd.s32 s30, s2  }
0xc: {  	s7 =	sadd.s32 s7, s5;
	s9 =	sadd.s32 s9, s5;
	s5 =	sadd.s32 s6, s8  }
0xd: {  	s6 =	sor.u32 $0x1C01, s31;
	s7 =	sadd.s32 $0xD200, s7;
	s8 =	sadd.s32 $0x17A00, s9  }
0xe: {  	s9 =	smax.u32 s10, $0x1;
	s10 =	sshrl.u32 s11, $0x3;
	s11 =	simm.s32 $0x1  }
.LBB2_1:
0xf: {  	[spmem:s10], [sflag:s6] =	dma.local [hbm:s5], $0x2800  }
0x10: {  	_ =	swait.ge [sflag:s11], $0x2800  }
0x11: {  	[sflag:s11] =	ssyncset.done $0x0  }
0x12: {  	[sflag:s11] =	ssyncadd.s32 $0xFFFFD800  }
0x13: {  	[tilespmem:s12], [sflag:$0x1] =	stream.linear.gather [hbm4b:s4+s3], $0x4000, $0x38;
	[tilespmem:$0x1A800] =	vst v63  }
0x14: {  	_ =	swait.ge [sflag:s11], $0x4000  }
0x15: {  	[sflag:s11] =	ssyncset.done $0x0  }
0x16: {  	[sflag:s11] =	ssyncadd.s32 $0xFFFFC000  }
0x17: {  	[tilespmem:s3], [sflag:$0x1] =	stream.linear.gather [hbm4b:s7+s3], $0x2780, $0x38;
	[tilespmem:$0x1A800] =	vst v63  }
0x18: {  	_ =	swait.ge [sflag:s11], $0x2780  }
0x19: {  	[sflag:s11] =	ssyncset.done $0x0  }
0x1a: {  	[sflag:s11] =	ssyncadd.s32 $0xFFFFD880  }
0x1b: {  	s15 =	simm.s32 $0x0;
	[bflag:$0x0] =	sbarrier.arrive $0xFFFF  }
0x1c: {  	[spmem:s2] =	stream.indirect.scatter.add.f32 [tilespmem:s12], [sflag:$0x1], $0x80, s15, s13, $0xb8;
	[tilespmem:$0x1A800] =	vst v63  }
0x1d: {  	_ =	swait.ge [sflag:s11], $0x4000  }
0x1e: {  	s15 =	simm.s32 $0x200;
	[sflag:s11] =	ssyncset.done $0x0  }
.LBB2_2:
0x1f: {  	s16 =	sshra.s32 s15, $0x2;
	[sflag:s11] =	ssyncadd.s32 $0xFFFFC000;
	p0 =	sne.s32 s15, $0x9C00  }
0x20: {  	[spmem:s2] =	stream.indirect.scatter.add.f32 [tilespmem:s12], [sflag:$0x1], $0x80, s16, s13, $0xb8;
	[tilespmem:$0x1A800] =	vst v63  }
.Ltmp0:
0x21: {  	_ = 	snop;
	(pc) =	sbr.rel @p0 .LBB2_2-.Ltmp0, $4  }
0x22: {  	_ = 	snop  }
0x23: {  	s15 =	sadd.s32 $0x200, s15  }
0x24: {  	_ =	swait.ge [sflag:s11], $0x4000  }
0x25: {  	[sflag:s11] =	ssyncset.done $0x0  }
0x26: {  	s14 =	sadd.s32 $0x1, s14  }
0x27: {  	[sflag:s11] =	ssyncadd.s32 $0xFFFFC000;
	p0 =	sne.s32 s14, s9  }
.Ltmp1:
0x28: {  	[bflag:$0x0] =	sbarrier.arrive $0xFFFF;
	(pc) =	sbr.rel @p0 .LBB2_1-.Ltmp1, $4  }
0x29: {  	[hbm:s8], [sflag:s6] =	dma.local [spmem:s10], $0x2800  }
0x2a: {  	_ =	swait.ge [sflag:s11], $0x2800  }
0x2b: {  	[sflag:s11] =	ssyncset.done $0x0  }
0x2c: {  	[sflag:s11] =	ssyncadd.s32 $0xFFFFD800  }
0x2d: {  	_ =	sfence.sel $0x180000  }
0x2e: {  	[bflag:$0x0] =	sbarrier.arrive $0xFFFF  }
0x2f: {  	p0 =	sne.s32 s0, $0x0;
	_ =	strace $0x90000047  }
0x30: {  	s0 =	sadd.s32 @!p0 $0x100000, s1;
	[bflag:$0x2] =	sbarrier.arrive $0xFFFF  }
0x31: {  	[sflag:s0] =	ssyncadd.tile.s32 @!p0 $0x1;
	_ =	shalt  }
.Lfunc_end2:
_tile_overlayer_lowered:
.L_overlay_start_2:
0x32: {  	(tag) =	ssettag $0x2  }
0x33: {  	s0 =	rddreg [dreg:$0x0];
	s2 =	stileid.u32  }
0x34: {  	s1 =	rddreg [dreg:$0x1];
	p0 =	sne.s32 s2, $0x0  }
0x35: {  	s3 =	rddreg [dreg:$0x2];
	[bflag:$0x3] =	sbarrier.arrive $0xFFFF;
	s2 =	simm.s32 @!p0 $0x1C01  }
0x36: {  	[timem:s3], [sflag:s2] =	dma.local @!p0 [hbm:s0], s1  }
0x37: {  	s0 =	simm.s32 @!p0 $0x1  }
0x38: {  	_ =	swait.ge @!p0 [sflag:s0], s1  }
0x39: {  	s1 =	ssub.s32 @!p0 $0x0, s1;
	[sflag:s0] =	ssyncset.done @!p0 $0x0  }
0x3a: {  	[sflag:s0] =	ssyncadd.s32 @!p0 s1  }
0x3b: {  	[bflag:$0x3] =	sbarrier.arrive $0xFFFF  }
0x3c: {  	_ =	shalt  }

</sc_bundles>
